<compile_context>
chip_gen: v7x
topology: tpu7x:2x2x1
jax: 0.10.2.dev20260603
libtpu: 0.0.44.dev20260713+nightly
codegen_flags: <defaults>
</compile_context>

<pallas_src>
import jax
import jax.numpy as jnp
from jax import lax
from jax.experimental import pallas as pl
from jax.experimental.pallas import tpu as pltpu
from jax.experimental.pallas import tpu_sc as plsc

N_VOCAB = 100000
OUT_DIM = 128

_B = 4096
_S = 50
_TOTAL = _B * _S

_NC = 2
_NS = 16
_NW = _NC * _NS

_COLS = _B // _NW
_CH = 128
_PER_W = _S * _COLS
_N_CHUNKS = _PER_W // _CH
_NBUF = 5
_N_GROUPS = _N_CHUNKS // _NBUF
_CPS = _COLS // _CH


def _body(ids_hbm, table_hbm, out_hbm, idx_v, rows_v, gsem, osem):
    wid = lax.axis_index("s") * _NC + lax.axis_index("c")
    col0 = wid * _COLS

    pltpu.sync_copy(ids_hbm.at[:, pl.ds(col0, _COLS)], idx_v)

    def gather_start(j, b):
        pltpu.make_async_copy(
            table_hbm.at[idx_v.at[j // _CPS, pl.ds((j % _CPS) * _CH, _CH)]],
            rows_v.at[b],
            gsem.at[b],
        ).start()

    def gather_wait(j, b):
        pltpu.make_async_copy(
            table_hbm.at[idx_v.at[j // _CPS, pl.ds((j % _CPS) * _CH, _CH)]],
            rows_v.at[b],
            gsem.at[b],
        ).wait()

    def out_copy(j, b):
        row0 = (j // _CPS) * _B + col0 + (j % _CPS) * _CH
        return pltpu.make_async_copy(
            rows_v.at[b],
            out_hbm.at[pl.ds(row0, _CH)],
            osem.at[b],
        )

    for b in range(_NBUF):
        gather_start(b, b)

    def group(g_idx, carry):
        g = g_idx * _NBUF
        outs = []
        for b in range(_NBUF):
            j = g + b
            gather_wait(j, b)
            cp = out_copy(j, b)
            cp.start()
            outs.append((cp, j, b))
        for cp, j, b in outs:
            cp.wait()

            @pl.when(j + _NBUF < _N_CHUNKS)
            def _():
                gather_start(j + _NBUF, b)

        return carry

    lax.fori_loop(0, _N_GROUPS, group, 0)


@jax.jit
def _run(ids_t, table):
    mesh = plsc.VectorSubcoreMesh(core_axis_name="c", subcore_axis_name="s")
    out = pl.kernel(
        _body,
        out_type=jax.ShapeDtypeStruct((_TOTAL, OUT_DIM), jnp.float32),
        mesh=mesh,
        scratch_types=[
            pltpu.VMEM((_S, _COLS), jnp.int32),
            pltpu.VMEM((_NBUF, _CH, OUT_DIM), jnp.float32),
            pltpu.SemaphoreType.DMA((_NBUF,)),
            pltpu.SemaphoreType.DMA((_NBUF,)),
        ],
    )(ids_t, table)
    return out.reshape(_S, _B, OUT_DIM).transpose(1, 0, 2)


def kernel(input_ids, table):
    ids_t = jnp.transpose(input_ids.astype(jnp.int32))
    return _run(ids_t, table)

# --- scband reference (transcript-rebuilt; emitter-appended) ---
"""Pipeline reference for scband-input-embeddings-59115929862261 (READ-ONLY COPY).

The authoritative reference and input builder live on the scoring server;
editing this copy changes nothing except your own understanding.
"""

import jax, jax.numpy as jnp
import numpy as np

N_VOCAB = 100000
OUT_DIM = 128

def setup_inputs(seed: int = 0) -> dict:
    key = jax.random.key(seed)
    k1, k2 = jax.random.split(key)
    input_ids = jax.random.randint(k1, (4096, 50), 0, N_VOCAB, dtype=jnp.int64 if jax.config.jax_enable_x64 else jnp.int32)
    table = jax.random.normal(k2, (N_VOCAB, OUT_DIM), dtype=jnp.float32)
    return {"input_ids": input_ids, "table": table}

def reference(input_ids, table):
    # torch.nn.Embedding forward == row gather from the embedding table
    return jnp.take(table, input_ids, axis=0)

if __name__ == "__main__":
    import jax
    _d = setup_inputs()
    print(jax.jit(kernel)(*tuple(_d.values())))

</pallas_src>

<mosaic_0001>
#map = affine_map<(d0, d1) -> (0, 0)>
module attributes {stable_mosaic.version = 14 : i64} {
  func.func @_body(%arg0: i32, %arg1: i32, %arg2: memref<50x4096xi32, #tpu.memory_space<hbm>>, %arg3: memref<100000x128xf32, #tpu.memory_space<hbm>>, %arg4: memref<204800x128xf32, #tpu.memory_space<hbm>>, %arg5: memref<50x128xi32, #tpu.memory_space<vmem>>, %arg6: memref<5x128x128xf32, #tpu.memory_space<vmem>>, %arg7: memref<5x!tpu.dma_semaphore, #tpu.memory_space<semaphore_mem>>, %arg8: memref<5x!tpu.dma_semaphore, #tpu.memory_space<semaphore_mem>>) attributes {dimension_semantics = [#tpu.dimension_semantics<core_parallel>, #tpu.dimension_semantics<subcore_parallel>], iteration_bounds = array<i64: 2, 16>, scalar_prefetch = 0 : i64, scratch_operands = 4 : i64, tpu.core_type = #tpu.core_type<sc_vector_subcore>, window_params = [{transform_indices = #map}, {transform_indices = #map}, {transform_indices = #map}]} {
    %mul3A = arith.constant 2 : i32
    %mul3A_0 = arith.muli %arg1, %mul3A : i32
    %add3A = arith.addi %mul3A_0, %arg0 : i32
    %mul3A_1 = arith.constant 128 : i32
    %mul3A_2 = arith.muli %add3A, %mul3A_1 : i32
    "tpu.region"() ({
      %run_scoped3A = tpu.sem_alloc : memref<!tpu.dma_semaphore, #tpu.memory_space<semaphore_mem>>
      %dma_start3A_82 = arith.constant 0 : i32
      %dma_start3A_83 = tpu.memref_slice %arg2[%dma_start3A_82, %mul3A_2] : memref<50x4096xi32, #tpu.memory_space<hbm>> -> memref<50x128xi32, #tpu.memory_space<hbm>>
      %dma_start3A_84 = arith.constant 0 : i32
      %dma_start3A_85 = tpu.memref_slice %arg2[%dma_start3A_84, %mul3A_2] : memref<50x4096xi32, #tpu.memory_space<hbm>> -> memref<50x128xi32, #tpu.memory_space<hbm>>
      tpu.enqueue_dma source(%dma_start3A_85 : memref<50x128xi32, #tpu.memory_space<hbm>>) target(%arg5 : memref<50x128xi32, #tpu.memory_space<vmem>>) target_semaphore(%run_scoped3A : memref<!tpu.dma_semaphore, #tpu.memory_space<semaphore_mem>>)
      %dma_wait3A = arith.constant 0 : i32
      %dma_wait3A_86 = tpu.memref_slice %arg2[%dma_wait3A, %mul3A_2] : memref<50x4096xi32, #tpu.memory_space<hbm>> -> memref<50x128xi32, #tpu.memory_space<hbm>>
      %dma_wait3A_87 = arith.constant 0 : i32
      %dma_wait3A_88 = tpu.memref_slice %arg2[%dma_wait3A_87, %mul3A_2] : memref<50x4096xi32, #tpu.memory_space<hbm>> -> memref<50x128xi32, #tpu.memory_space<hbm>>
      tpu.wait_dma2 semaphore(%run_scoped3A : memref<!tpu.dma_semaphore, #tpu.memory_space<semaphore_mem>>) src(%dma_wait3A_88 : memref<50x128xi32, #tpu.memory_space<hbm>>) dst(%arg5 : memref<50x128xi32, #tpu.memory_space<vmem>>)
      tpu.yield
    }) : () -> ()
    %dma_start3A = arith.constant 0 : i32
    %dma_start3A_3 = arith.constant 0 : i32
    %dma_start3A_4 = arith.constant 0 : i32
    %dma_start3A_5 = arith.constant 0 : i32
    %dma_start3A_6 = arith.constant 0 : i32
    %dma_start3A_7 = tpu.memref_slice %arg6[%dma_start3A_3, %dma_start3A_5, %dma_start3A_6] : memref<5x128x128xf32, #tpu.memory_space<vmem>> -> memref<1x128x128xf32, #tpu.memory_space<vmem>>
    %dma_start3A_8 = tpu.memref_squeeze %dma_start3A_7 : memref<1x128x128xf32, #tpu.memory_space<vmem>> -> memref<128x128xf32, #tpu.memory_space<vmem>>
    %dma_start3A_9 = arith.constant 0 : i32
    %dma_start3A_10 = tpu.memref_slice %arg5[%dma_start3A, %dma_start3A_9] : memref<50x128xi32, #tpu.memory_space<vmem>> -> memref<1x128xi32, #tpu.memory_space<vmem>>
    %dma_start3A_11 = tpu.memref_squeeze %dma_start3A_10 : memref<1x128xi32, #tpu.memory_space<vmem>> -> memref<128xi32, #tpu.memory_space<vmem>>
    %dma_start3A_12 = arith.constant 0 : i32
    %dma_start3A_13 = arith.constant 0 : i32
    %dma_start3A_14 = tpu.memref_slice %arg3[%dma_start3A_12, %dma_start3A_13] : memref<100000x128xf32, #tpu.memory_space<hbm>> -> memref<100000x128xf32, #tpu.memory_space<hbm>>
    %dma_start3A_15 = tpu.memref_slice %arg7[%dma_start3A_4] : memref<5x!tpu.dma_semaphore, #tpu.memory_space<semaphore_mem>> -> memref<1x!tpu.dma_semaphore, #tpu.memory_space<semaphore_mem>>
    %dma_start3A_16 = tpu.memref_squeeze %dma_start3A_15 : memref<1x!tpu.dma_semaphore, #tpu.memory_space<semaphore_mem>> -> memref<!tpu.dma_semaphore, #tpu.memory_space<semaphore_mem>>
    tpu.enqueue_indirect_dma source(%dma_start3A_14 : memref<100000x128xf32, #tpu.memory_space<hbm>>) target(%dma_start3A_8 : memref<128x128xf32, #tpu.memory_space<vmem>>) offsets(%dma_start3A_11 : memref<128xi32, #tpu.memory_space<vmem>>) semaphore(%dma_start3A_16 : memref<!tpu.dma_semaphore, #tpu.memory_space<semaphore_mem>>)
    %dma_start3A_17 = arith.constant 1 : i32
    %dma_start3A_18 = arith.constant 1 : i32
    %dma_start3A_19 = arith.constant 1 : i32
    %dma_start3A_20 = arith.constant 0 : i32
    %dma_start3A_21 = arith.constant 0 : i32
    %dma_start3A_22 = tpu.memref_slice %arg6[%dma_start3A_18, %dma_start3A_20, %dma_start3A_21] : memref<5x128x128xf32, #tpu.memory_space<vmem>> -> memref<1x128x128xf32, #tpu.memory_space<vmem>>
    %dma_start3A_23 = tpu.memref_squeeze %dma_start3A_22 : memref<1x128x128xf32, #tpu.memory_space<vmem>> -> memref<128x128xf32, #tpu.memory_space<vmem>>
    %dma_start3A_24 = arith.constant 0 : i32
    %dma_start3A_25 = tpu.memref_slice %arg5[%dma_start3A_17, %dma_start3A_24] : memref<50x128xi32, #tpu.memory_space<vmem>> -> memref<1x128xi32, #tpu.memory_space<vmem>>
    %dma_start3A_26 = tpu.memref_squeeze %dma_start3A_25 : memref<1x128xi32, #tpu.memory_space<vmem>> -> memref<128xi32, #tpu.memory_space<vmem>>
    %dma_start3A_27 = arith.constant 0 : i32
    %dma_start3A_28 = arith.constant 0 : i32
    %dma_start3A_29 = tpu.memref_slice %arg3[%dma_start3A_27, %dma_start3A_28] : memref<100000x128xf32, #tpu.memory_space<hbm>> -> memref<100000x128xf32, #tpu.memory_space<hbm>>
    %dma_start3A_30 = tpu.memref_slice %arg7[%dma_start3A_19] : memref<5x!tpu.dma_semaphore, #tpu.memory_space<semaphore_mem>> -> memref<1x!tpu.dma_semaphore, #tpu.memory_space<semaphore_mem>>
    %dma_start3A_31 = tpu.memref_squeeze %dma_start3A_30 : memref<1x!tpu.dma_semaphore, #tpu.memory_space<semaphore_mem>> -> memref<!tpu.dma_semaphore, #tpu.memory_space<semaphore_mem>>
    tpu.enqueue_indirect_dma source(%dma_start3A_29 : memref<100000x128xf32, #tpu.memory_space<hbm>>) target(%dma_start3A_23 : memref<128x128xf32, #tpu.memory_space<vmem>>) offsets(%dma_start3A_26 : memref<128xi32, #tpu.memory_space<vmem>>) semaphore(%dma_start3A_31 : memref<!tpu.dma_semaphore, #tpu.memory_space<semaphore_mem>>)
    %dma_start3A_32 = arith.constant 2 : i32
    %dma_start3A_33 = arith.constant 2 : i32
    %dma_start3A_34 = arith.constant 2 : i32
    %dma_start3A_35 = arith.constant 0 : i32
    %dma_start3A_36 = arith.constant 0 : i32
    %dma_start3A_37 = tpu.memref_slice %arg6[%dma_start3A_33, %dma_start3A_35, %dma_start3A_36] : memref<5x128x128xf32, #tpu.memory_space<vmem>> -> memref<1x128x128xf32, #tpu.memory_space<vmem>>
    %dma_start3A_38 = tpu.memref_squeeze %dma_start3A_37 : memref<1x128x128xf32, #tpu.memory_space<vmem>> -> memref<128x128xf32, #tpu.memory_space<vmem>>
    %dma_start3A_39 = arith.constant 0 : i32
    %dma_start3A_40 = tpu.memref_slice %arg5[%dma_start3A_32, %dma_start3A_39] : memref<50x128xi32, #tpu.memory_space<vmem>> -> memref<1x128xi32, #tpu.memory_space<vmem>>
    %dma_start3A_41 = tpu.memref_squeeze %dma_start3A_40 : memref<1x128xi32, #tpu.memory_space<vmem>> -> memref<128xi32, #tpu.memory_space<vmem>>
    %dma_start3A_42 = arith.constant 0 : i32
    %dma_start3A_43 = arith.constant 0 : i32
    %dma_start3A_44 = tpu.memref_slice %arg3[%dma_start3A_42, %dma_start3A_43] : memref<100000x128xf32, #tpu.memory_space<hbm>> -> memref<100000x128xf32, #tpu.memory_space<hbm>>
    %dma_start3A_45 = tpu.memref_slice %arg7[%dma_start3A_34] : memref<5x!tpu.dma_semaphore, #tpu.memory_space<semaphore_mem>> -> memref<1x!tpu.dma_semaphore, #tpu.memory_space<semaphore_mem>>
    %dma_start3A_46 = tpu.memref_squeeze %dma_start3A_45 : memref<1x!tpu.dma_semaphore, #tpu.memory_space<semaphore_mem>> -> memref<!tpu.dma_semaphore, #tpu.memory_space<semaphore_mem>>
    tpu.enqueue_indirect_dma source(%dma_start3A_44 : memref<100000x128xf32, #tpu.memory_space<hbm>>) target(%dma_start3A_38 : memref<128x128xf32, #tpu.memory_space<vmem>>) offsets(%dma_start3A_41 : memref<128xi32, #tpu.memory_space<vmem>>) semaphore(%dma_start3A_46 : memref<!tpu.dma_semaphore, #tpu.memory_space<semaphore_mem>>)
    %dma_start3A_47 = arith.constant 3 : i32
    %dma_start3A_48 = arith.constant 3 : i32
    %dma_start3A_49 = arith.constant 3 : i32
    %dma_start3A_50 = arith.constant 0 : i32
    %dma_start3A_51 = arith.constant 0 : i32
    %dma_start3A_52 = tpu.memref_slice %arg6[%dma_start3A_48, %dma_start3A_50, %dma_start3A_51] : memref<5x128x128xf32, #tpu.memory_space<vmem>> -> memref<1x128x128xf32, #tpu.memory_space<vmem>>
    %dma_start3A_53 = tpu.memref_squeeze %dma_start3A_52 : memref<1x128x128xf32, #tpu.memory_space<vmem>> -> memref<128x128xf32, #tpu.memory_space<vmem>>
    %dma_start3A_54 = arith.constant 0 : i32
    %dma_start3A_55 = tpu.memref_slice %arg5[%dma_start3A_47, %dma_start3A_54] : memref<50x128xi32, #tpu.memory_space<vmem>> -> memref<1x128xi32, #tpu.memory_space<vmem>>
    %dma_start3A_56 = tpu.memref_squeeze %dma_start3A_55 : memref<1x128xi32, #tpu.memory_space<vmem>> -> memref<128xi32, #tpu.memory_space<vmem>>
    %dma_start3A_57 = arith.constant 0 : i32
    %dma_start3A_58 = arith.constant 0 : i32
    %dma_start3A_59 = tpu.memref_slice %arg3[%dma_start3A_57, %dma_start3A_58] : memref<100000x128xf32, #tpu.memory_space<hbm>> -> memref<100000x128xf32, #tpu.memory_space<hbm>>
    %dma_start3A_60 = tpu.memref_slice %arg7[%dma_start3A_49] : memref<5x!tpu.dma_semaphore, #tpu.memory_space<semaphore_mem>> -> memref<1x!tpu.dma_semaphore, #tpu.memory_space<semaphore_mem>>
    %dma_start3A_61 = tpu.memref_squeeze %dma_start3A_60 : memref<1x!tpu.dma_semaphore, #tpu.memory_space<semaphore_mem>> -> memref<!tpu.dma_semaphore, #tpu.memory_space<semaphore_mem>>
    tpu.enqueue_indirect_dma source(%dma_start3A_59 : memref<100000x128xf32, #tpu.memory_space<hbm>>) target(%dma_start3A_53 : memref<128x128xf32, #tpu.memory_space<vmem>>) offsets(%dma_start3A_56 : memref<128xi32, #tpu.memory_space<vmem>>) semaphore(%dma_start3A_61 : memref<!tpu.dma_semaphore, #tpu.memory_space<semaphore_mem>>)
    %dma_start3A_62 = arith.constant 4 : i32
    %dma_start3A_63 = arith.constant 4 : i32
    %dma_start3A_64 = arith.constant 4 : i32
    %dma_start3A_65 = arith.constant 0 : i32
    %dma_start3A_66 = arith.constant 0 : i32
    %dma_start3A_67 = tpu.memref_slice %arg6[%dma_start3A_63, %dma_start3A_65, %dma_start3A_66] : memref<5x128x128xf32, #tpu.memory_space<vmem>> -> memref<1x128x128xf32, #tpu.memory_space<vmem>>
    %dma_start3A_68 = tpu.memref_squeeze %dma_start3A_67 : memref<1x128x128xf32, #tpu.memory_space<vmem>> -> memref<128x128xf32, #tpu.memory_space<vmem>>
    %dma_start3A_69 = arith.constant 0 : i32
    %dma_start3A_70 = tpu.memref_slice %arg5[%dma_start3A_62, %dma_start3A_69] : memref<50x128xi32, #tpu.memory_space<vmem>> -> memref<1x128xi32, #tpu.memory_space<vmem>>
    %dma_start3A_71 = tpu.memref_squeeze %dma_start3A_70 : memref<1x128xi32, #tpu.memory_space<vmem>> -> memref<128xi32, #tpu.memory_space<vmem>>
    %dma_start3A_72 = arith.constant 0 : i32
    %dma_start3A_73 = arith.constant 0 : i32
    %dma_start3A_74 = tpu.memref_slice %arg3[%dma_start3A_72, %dma_start3A_73] : memref<100000x128xf32, #tpu.memory_space<hbm>> -> memref<100000x128xf32, #tpu.memory_space<hbm>>
    %dma_start3A_75 = tpu.memref_slice %arg7[%dma_start3A_64] : memref<5x!tpu.dma_semaphore, #tpu.memory_space<semaphore_mem>> -> memref<1x!tpu.dma_semaphore, #tpu.memory_space<semaphore_mem>>
    %dma_start3A_76 = tpu.memref_squeeze %dma_start3A_75 : memref<1x!tpu.dma_semaphore, #tpu.memory_space<semaphore_mem>> -> memref<!tpu.dma_semaphore, #tpu.memory_space<semaphore_mem>>
    tpu.enqueue_indirect_dma source(%dma_start3A_74 : memref<100000x128xf32, #tpu.memory_space<hbm>>) target(%dma_start3A_68 : memref<128x128xf32, #tpu.memory_space<vmem>>) offsets(%dma_start3A_71 : memref<128xi32, #tpu.memory_space<vmem>>) semaphore(%dma_start3A_76 : memref<!tpu.dma_semaphore, #tpu.memory_space<semaphore_mem>>)
    %scan3A = arith.constant 0 : i32
    %scan3A_77 = arith.constant 0 : i32
    %scan3A_78 = arith.constant 10 : i32
    %scan3A_79 = arith.addi %scan3A_77, %scan3A_78 : i32
    %scan3A_80 = arith.constant 1 : i32
    scf.for %scan3A_82 = %scan3A_77 to %scan3A_79 step %scan3A_80  : i32 {
      %mul3A_83 = arith.constant 5 : i32
      %mul3A_84 = arith.muli %scan3A_82, %mul3A_83 : i32
      %add3A_85 = arith.constant 0 : i32
      %add3A_86 = arith.addi %mul3A_84, %add3A_85 : i32
      %jit3A = arith.constant 1 : i32
      %div3A = arith.divsi %add3A_86, %jit3A : i32
      %sign3A = arith.constant 0 : i32
      %sign3A_87 = arith.cmpi sgt, %add3A_86, %sign3A : i32
      %sign3A_88 = arith.extui %sign3A_87 : i1 to i32
      %sign3A_89 = arith.constant 0 : i32
      %sign3A_90 = arith.cmpi slt, %add3A_86, %sign3A_89 : i32
      %sign3A_91 = arith.extui %sign3A_90 : i1 to i32
      %sign3A_92 = arith.subi %sign3A_88, %sign3A_91 : i32
      %sign3A_93 = arith.constant 0 : i32
      %sign3A_94 = arith.cmpi sgt, %jit3A, %sign3A_93 : i32
      %sign3A_95 = arith.extui %sign3A_94 : i1 to i32
      %sign3A_96 = arith.constant 0 : i32
      %sign3A_97 = arith.cmpi slt, %jit3A, %sign3A_96 : i32
      %sign3A_98 = arith.extui %sign3A_97 : i1 to i32
      %sign3A_99 = arith.subi %sign3A_95, %sign3A_98 : i32
      %ne3A = arith.cmpi ne, %sign3A_92, %sign3A_99 : i32
      %rem3A = arith.remsi %add3A_86, %jit3A : i32
      %ne3A_100 = arith.constant 0 : i32
      %ne3A_101 = arith.cmpi ne, %rem3A, %ne3A_100 : i32
      %and3A = arith.andi %ne3A, %ne3A_101 : i1
      %sub3A = arith.constant 1 : i32
      %sub3A_102 = arith.subi %div3A, %sub3A : i32
      %select_n3A = arith.select %and3A, %sub3A_102, %div3A : i32
      %jit3A_103 = arith.constant 1 : i32
      %eq3A = arith.constant 0 : i32
      %eq3A_104 = arith.cmpi eq, %jit3A_103, %eq3A : i32
      %jit3A_105 = arith.constant 1 : i32
      %select_n3A_106 = arith.select %eq3A_104, %jit3A_105, %jit3A_103 : i32
      %rem3A_107 = arith.remsi %add3A_86, %select_n3A_106 : i32
      %ne3A_108 = arith.constant 0 : i32
      %ne3A_109 = arith.cmpi ne, %rem3A_107, %ne3A_108 : i32
      %lt3A = arith.constant 0 : i32
      %lt3A_110 = arith.cmpi slt, %rem3A_107, %lt3A : i32
      %lt3A_111 = arith.constant 0 : i32
      %lt3A_112 = arith.cmpi slt, %select_n3A_106, %lt3A_111 : i32
      %ne3A_113 = arith.xori %lt3A_110, %lt3A_112 : i1
      %and3A_114 = arith.andi %ne3A_113, %ne3A_109 : i1
      %add3A_115 = arith.addi %rem3A_107, %select_n3A_106 : i32
      %select_n3A_116 = arith.select %and3A_114, %add3A_115, %rem3A_107 : i32
      %mul3A_117 = arith.constant 128 : i32
      %mul3A_118 = arith.muli %select_n3A_116, %mul3A_117 : i32
      %dma_wait3A = arith.constant 0 : i32
      %dma_wait3A_119 = arith.constant 0 : i32
      %dma_wait3A_120 = arith.constant 0 : i32
      %dma_wait3A_121 = arith.constant 0 : i32
      %dma_wait3A_122 = tpu.memref_slice %arg6[%dma_wait3A, %dma_wait3A_120, %dma_wait3A_121] : memref<5x128x128xf32, #tpu.memory_space<vmem>> -> memref<1x128x128xf32, #tpu.memory_space<vmem>>
      %dma_wait3A_123 = tpu.memref_squeeze %dma_wait3A_122 : memref<1x128x128xf32, #tpu.memory_space<vmem>> -> memref<128x128xf32, #tpu.memory_space<vmem>>
      %dma_wait3A_124 = tpu.memref_slice %arg5[%select_n3A, %mul3A_118] : memref<50x128xi32, #tpu.memory_space<vmem>> -> memref<1x128xi32, #tpu.memory_space<vmem>>
      %dma_wait3A_125 = tpu.memref_squeeze %dma_wait3A_124 : memref<1x128xi32, #tpu.memory_space<vmem>> -> memref<128xi32, #tpu.memory_space<vmem>>
      %dma_wait3A_126 = arith.constant 0 : i32
      %dma_wait3A_127 = arith.constant 0 : i32
      %dma_wait3A_128 = tpu.memref_slice %arg3[%dma_wait3A_126, %dma_wait3A_127] : memref<100000x128xf32, #tpu.memory_space<hbm>> -> memref<100000x128xf32, #tpu.memory_space<hbm>>
      %dma_wait3A_129 = tpu.memref_slice %arg7[%dma_wait3A_119] : memref<5x!tpu.dma_semaphore, #tpu.memory_space<semaphore_mem>> -> memref<1x!tpu.dma_semaphore, #tpu.memory_space<semaphore_mem>>
      %dma_wait3A_130 = tpu.memref_squeeze %dma_wait3A_129 : memref<1x!tpu.dma_semaphore, #tpu.memory_space<semaphore_mem>> -> memref<!tpu.dma_semaphore, #tpu.memory_space<semaphore_mem>>
      tpu.wait_indirect_dma semaphore(%dma_wait3A_130 : memref<!tpu.dma_semaphore, #tpu.memory_space<semaphore_mem>>) src(%dma_wait3A_128 : memref<100000x128xf32, #tpu.memory_space<hbm>>) dst(%dma_wait3A_123 : memref<128x128xf32, #tpu.memory_space<vmem>>)
      %jit3A_131 = arith.constant 1 : i32
      %div3A_132 = arith.divsi %add3A_86, %jit3A_131 : i32
      %sign3A_133 = arith.constant 0 : i32
      %sign3A_134 = arith.cmpi sgt, %add3A_86, %sign3A_133 : i32
      %sign3A_135 = arith.extui %sign3A_134 : i1 to i32
      %sign3A_136 = arith.constant 0 : i32
      %sign3A_137 = arith.cmpi slt, %add3A_86, %sign3A_136 : i32
      %sign3A_138 = arith.extui %sign3A_137 : i1 to i32
      %sign3A_139 = arith.subi %sign3A_135, %sign3A_138 : i32
      %sign3A_140 = arith.constant 0 : i32
      %sign3A_141 = arith.cmpi sgt, %jit3A_131, %sign3A_140 : i32
      %sign3A_142 = arith.extui %sign3A_141 : i1 to i32
      %sign3A_143 = arith.constant 0 : i32
      %sign3A_144 = arith.cmpi slt, %jit3A_131, %sign3A_143 : i32
      %sign3A_145 = arith.extui %sign3A_144 : i1 to i32
      %sign3A_146 = arith.subi %sign3A_142, %sign3A_145 : i32
      %ne3A_147 = arith.cmpi ne, %sign3A_139, %sign3A_146 : i32
      %rem3A_148 = arith.remsi %add3A_86, %jit3A_131 : i32
      %ne3A_149 = arith.constant 0 : i32
      %ne3A_150 = arith.cmpi ne, %rem3A_148, %ne3A_149 : i32
      %and3A_151 = arith.andi %ne3A_147, %ne3A_150 : i1
      %sub3A_152 = arith.constant 1 : i32
      %sub3A_153 = arith.subi %div3A_132, %sub3A_152 : i32
      %select_n3A_154 = arith.select %and3A_151, %sub3A_153, %div3A_132 : i32
      %mul3A_155 = arith.constant 4096 : i32
      %mul3A_156 = arith.muli %select_n3A_154, %mul3A_155 : i32
      %add3A_157 = arith.addi %mul3A_156, %mul3A_2 : i32
      %jit3A_158 = arith.constant 1 : i32
      %eq3A_159 = arith.constant 0 : i32
      %eq3A_160 = arith.cmpi eq, %jit3A_158, %eq3A_159 : i32
      %jit3A_161 = arith.constant 1 : i32
      %select_n3A_162 = arith.select %eq3A_160, %jit3A_161, %jit3A_158 : i32
      %rem3A_163 = arith.remsi %add3A_86, %select_n3A_162 : i32
      %ne3A_164 = arith.constant 0 : i32
      %ne3A_165 = arith.cmpi ne, %rem3A_163, %ne3A_164 : i32
      %lt3A_166 = arith.constant 0 : i32
      %lt3A_167 = arith.cmpi slt, %rem3A_163, %lt3A_166 : i32
      %lt3A_168 = arith.constant 0 : i32
      %lt3A_169 = arith.cmpi slt, %select_n3A_162, %lt3A_168 : i32
      %ne3A_170 = arith.xori %lt3A_167, %lt3A_169 : i1
      %and3A_171 = arith.andi %ne3A_170, %ne3A_165 : i1
      %add3A_172 = arith.addi %rem3A_163, %select_n3A_162 : i32
      %select_n3A_173 = arith.select %and3A_171, %add3A_172, %rem3A_163 : i32
      %mul3A_174 = arith.constant 128 : i32
      %mul3A_175 = arith.muli %select_n3A_173, %mul3A_174 : i32
      %add3A_176 = arith.addi %add3A_157, %mul3A_175 : i32
      %dma_start3A_177 = arith.constant 0 : i32
      %dma_start3A_178 = arith.constant 0 : i32
      %dma_start3A_179 = arith.constant 0 : i32
      %dma_start3A_180 = arith.constant 0 : i32
      %dma_start3A_181 = tpu.memref_slice %arg6[%dma_start3A_177, %dma_start3A_179, %dma_start3A_180] : memref<5x128x128xf32, #tpu.memory_space<vmem>> -> memref<1x128x128xf32, #tpu.memory_space<vmem>>
      %dma_start3A_182 = tpu.memref_squeeze %dma_start3A_181 : memref<1x128x128xf32, #tpu.memory_space<vmem>> -> memref<128x128xf32, #tpu.memory_space<vmem>>
      %dma_start3A_183 = arith.constant 0 : i32
      %dma_start3A_184 = tpu.memref_slice %arg4[%add3A_176, %dma_start3A_183] : memref<204800x128xf32, #tpu.memory_space<hbm>> -> memref<128x128xf32, #tpu.memory_space<hbm>>
      %dma_start3A_185 = tpu.memref_slice %arg8[%dma_start3A_178] : memref<5x!tpu.dma_semaphore, #tpu.memory_space<semaphore_mem>> -> memref<1x!tpu.dma_semaphore, #tpu.memory_space<semaphore_mem>>
      %dma_start3A_186 = tpu.memref_squeeze %dma_start3A_185 : memref<1x!tpu.dma_semaphore, #tpu.memory_space<semaphore_mem>> -> memref<!tpu.dma_semaphore, #tpu.memory_space<semaphore_mem>>
      %dma_start3A_187 = arith.constant 0 : i32
      %dma_start3A_188 = tpu.memref_slice %arg4[%add3A_176, %dma_start3A_187] : memref<204800x128xf32, #tpu.memory_space<hbm>> -> memref<128x128xf32, #tpu.memory_space<hbm>>
      %dma_start3A_189 = arith.constant 0 : i32
      %dma_start3A_190 = arith.constant 0 : i32
      %dma_start3A_191 = tpu.memref_slice %arg6[%dma_start3A_177, %dma_start3A_189, %dma_start3A_190] : memref<5x128x128xf32, #tpu.memory_space<vmem>> -> memref<1x128x128xf32, #tpu.memory_space<vmem>>
      %dma_start3A_192 = tpu.memref_squeeze %dma_start3A_191 : memref<1x128x128xf32, #tpu.memory_space<vmem>> -> memref<128x128xf32, #tpu.memory_space<vmem>>
      tpu.enqueue_dma source(%dma_start3A_192 : memref<128x128xf32, #tpu.memory_space<vmem>>) target(%dma_start3A_188 : memref<128x128xf32, #tpu.memory_space<hbm>>) target_semaphore(%dma_start3A_186 : memref<!tpu.dma_semaphore, #tpu.memory_space<semaphore_mem>>)
      %add3A_193 = arith.constant 1 : i32
      %add3A_194 = arith.addi %mul3A_84, %add3A_193 : i32
      %jit3A_195 = arith.constant 1 : i32
      %div3A_196 = arith.divsi %add3A_194, %jit3A_195 : i32
      %sign3A_197 = arith.constant 0 : i32
      %sign3A_198 = arith.cmpi sgt, %add3A_194, %sign3A_197 : i32
      %sign3A_199 = arith.extui %sign3A_198 : i1 to i32
      %sign3A_200 = arith.constant 0 : i32
      %sign3A_201 = arith.cmpi slt, %add3A_194, %sign3A_200 : i32
      %sign3A_202 = arith.extui %sign3A_201 : i1 to i32
      %sign3A_203 = arith.subi %sign3A_199, %sign3A_202 : i32
      %sign3A_204 = arith.constant 0 : i32
      %sign3A_205 = arith.cmpi sgt, %jit3A_195, %sign3A_204 : i32
      %sign3A_206 = arith.extui %sign3A_205 : i1 to i32
      %sign3A_207 = arith.constant 0 : i32
      %sign3A_208 = arith.cmpi slt, %jit3A_195, %sign3A_207 : i32
      %sign3A_209 = arith.extui %sign3A_208 : i1 to i32
      %sign3A_210 = arith.subi %sign3A_206, %sign3A_209 : i32
      %ne3A_211 = arith.cmpi ne, %sign3A_203, %sign3A_210 : i32
      %rem3A_212 = arith.remsi %add3A_194, %jit3A_195 : i32
      %ne3A_213 = arith.constant 0 : i32
      %ne3A_214 = arith.cmpi ne, %rem3A_212, %ne3A_213 : i32
      %and3A_215 = arith.andi %ne3A_211, %ne3A_214 : i1
      %sub3A_216 = arith.constant 1 : i32
      %sub3A_217 = arith.subi %div3A_196, %sub3A_216 : i32
      %select_n3A_218 = arith.select %and3A_215, %sub3A_217, %div3A_196 : i32
      %jit3A_219 = arith.constant 1 : i32
      %eq3A_220 = arith.constant 0 : i32
      %eq3A_221 = arith.cmpi eq, %jit3A_219, %eq3A_220 : i32
      %jit3A_222 = arith.constant 1 : i32
      %select_n3A_223 = arith.select %eq3A_221, %jit3A_222, %jit3A_219 : i32
      %rem3A_224 = arith.remsi %add3A_194, %select_n3A_223 : i32
      %ne3A_225 = arith.constant 0 : i32
      %ne3A_226 = arith.cmpi ne, %rem3A_224, %ne3A_225 : i32
      %lt3A_227 = arith.constant 0 : i32
      %lt3A_228 = arith.cmpi slt, %rem3A_224, %lt3A_227 : i32
      %lt3A_229 = arith.constant 0 : i32
      %lt3A_230 = arith.cmpi slt, %select_n3A_223, %lt3A_229 : i32
      %ne3A_231 = arith.xori %lt3A_228, %lt3A_230 : i1
      %and3A_232 = arith.andi %ne3A_231, %ne3A_226 : i1
      %add3A_233 = arith.addi %rem3A_224, %select_n3A_223 : i32
      %select_n3A_234 = arith.select %and3A_232, %add3A_233, %rem3A_224 : i32
      %mul3A_235 = arith.constant 128 : i32
      %mul3A_236 = arith.muli %select_n3A_234, %mul3A_235 : i32
      %dma_wait3A_237 = arith.constant 1 : i32
      %dma_wait3A_238 = arith.constant 1 : i32
      %dma_wait3A_239 = arith.constant 0 : i32
      %dma_wait3A_240 = arith.constant 0 : i32
      %dma_wait3A_241 = tpu.memref_slice %arg6[%dma_wait3A_237, %dma_wait3A_239, %dma_wait3A_240] : memref<5x128x128xf32, #tpu.memory_space<vmem>> -> memref<1x128x128xf32, #tpu.memory_space<vmem>>
      %dma_wait3A_242 = tpu.memref_squeeze %dma_wait3A_241 : memref<1x128x128xf32, #tpu.memory_space<vmem>> -> memref<128x128xf32, #tpu.memory_space<vmem>>
      %dma_wait3A_243 = tpu.memref_slice %arg5[%select_n3A_218, %mul3A_236] : memref<50x128xi32, #tpu.memory_space<vmem>> -> memref<1x128xi32, #tpu.memory_space<vmem>>
      %dma_wait3A_244 = tpu.memref_squeeze %dma_wait3A_243 : memref<1x128xi32, #tpu.memory_space<vmem>> -> memref<128xi32, #tpu.memory_space<vmem>>
      %dma_wait3A_245 = arith.constant 0 : i32
      %dma_wait3A_246 = arith.constant 0 : i32
      %dma_wait3A_247 = tpu.memref_slice %arg3[%dma_wait3A_245, %dma_wait3A_246] : memref<100000x128xf32, #tpu.memory_space<hbm>> -> memref<100000x128xf32, #tpu.memory_space<hbm>>
      %dma_wait3A_248 = tpu.memref_slice %arg7[%dma_wait3A_238] : memref<5x!tpu.dma_semaphore, #tpu.memory_space<semaphore_mem>> -> memref<1x!tpu.dma_semaphore, #tpu.memory_space<semaphore_mem>>
      %dma_wait3A_249 = tpu.memref_squeeze %dma_wait3A_248 : memref<1x!tpu.dma_semaphore, #tpu.memory_space<semaphore_mem>> -> memref<!tpu.dma_semaphore, #tpu.memory_space<semaphore_mem>>
      tpu.wait_indirect_dma semaphore(%dma_wait3A_249 : memref<!tpu.dma_semaphore, #tpu.memory_space<semaphore_mem>>) src(%dma_wait3A_247 : memref<100000x128xf32, #tpu.memory_space<hbm>>) dst(%dma_wait3A_242 : memref<128x128xf32, #tpu.memory_space<vmem>>)
      %jit3A_250 = arith.constant 1 : i32
      %div3A_251 = arith.divsi %add3A_194, %jit3A_250 : i32
      %sign3A_252 = arith.constant 0 : i32
      %sign3A_253 = arith.cmpi sgt, %add3A_194, %sign3A_252 : i32
      %sign3A_254 = arith.extui %sign3A_253 : i1 to i32
      %sign3A_255 = arith.constant 0 : i32
      %sign3A_256 = arith.cmpi slt, %add3A_194, %sign3A_255 : i32
      %sign3A_257 = arith.extui %sign3A_256 : i1 to i32
      %sign3A_258 = arith.subi %sign3A_254, %sign3A_257 : i32
      %sign3A_259 = arith.constant 0 : i32
      %sign3A_260 = arith.cmpi sgt, %jit3A_250, %sign3A_259 : i32
      %sign3A_261 = arith.extui %sign3A_260 : i1 to i32
      %sign3A_262 = arith.constant 0 : i32
      %sign3A_263 = arith.cmpi slt, %jit3A_250, %sign3A_262 : i32
      %sign3A_264 = arith.extui %sign3A_263 : i1 to i32
      %sign3A_265 = arith.subi %sign3A_261, %sign3A_264 : i32
      %ne3A_266 = arith.cmpi ne, %sign3A_258, %sign3A_265 : i32
      %rem3A_267 = arith.remsi %add3A_194, %jit3A_250 : i32
      %ne3A_268 = arith.constant 0 : i32
      %ne3A_269 = arith.cmpi ne, %rem3A_267, %ne3A_268 : i32
      %and3A_270 = arith.andi %ne3A_266, %ne3A_269 : i1
      %sub3A_271 = arith.constant 1 : i32
      %sub3A_272 = arith.subi %div3A_251, %sub3A_271 : i32
      %select_n3A_273 = arith.select %and3A_270, %sub3A_272, %div3A_251 : i32
      %mul3A_274 = arith.constant 4096 : i32
      %mul3A_275 = arith.muli %select_n3A_273, %mul3A_274 : i32
      %add3A_276 = arith.addi %mul3A_275, %mul3A_2 : i32
      %jit3A_277 = arith.constant 1 : i32
      %eq3A_278 = arith.constant 0 : i32
      %eq3A_279 = arith.cmpi eq, %jit3A_277, %eq3A_278 : i32
      %jit3A_280 = arith.constant 1 : i32
      %select_n3A_281 = arith.select %eq3A_279, %jit3A_280, %jit3A_277 : i32
      %rem3A_282 = arith.remsi %add3A_194, %select_n3A_281 : i32
      %ne3A_283 = arith.constant 0 : i32
      %ne3A_284 = arith.cmpi ne, %rem3A_282, %ne3A_283 : i32
      %lt3A_285 = arith.constant 0 : i32
      %lt3A_286 = arith.cmpi slt, %rem3A_282, %lt3A_285 : i32
      %lt3A_287 = arith.constant 0 : i32
      %lt3A_288 = arith.cmpi slt, %select_n3A_281, %lt3A_287 : i32
      %ne3A_289 = arith.xori %lt3A_286, %lt3A_288 : i1
      %and3A_290 = arith.andi %ne3A_289, %ne3A_284 : i1
      %add3A_291 = arith.addi %rem3A_282, %select_n3A_281 : i32
      %select_n3A_292 = arith.select %and3A_290, %add3A_291, %rem3A_282 : i32
      %mul3A_293 = arith.constant 128 : i32
      %mul3A_294 = arith.muli %select_n3A_292, %mul3A_293 : i32
      %add3A_295 = arith.addi %add3A_276, %mul3A_294 : i32
      %dma_start3A_296 = arith.constant 1 : i32
      %dma_start3A_297 = arith.constant 1 : i32
      %dma_start3A_298 = arith.constant 0 : i32
      %dma_start3A_299 = arith.constant 0 : i32
      %dma_start3A_300 = tpu.memref_slice %arg6[%dma_start3A_296, %dma_start3A_298, %dma_start3A_299] : memref<5x128x128xf32, #tpu.memory_space<vmem>> -> memref<1x128x128xf32, #tpu.memory_space<vmem>>
      %dma_start3A_301 = tpu.memref_squeeze %dma_start3A_300 : memref<1x128x128xf32, #tpu.memory_space<vmem>> -> memref<128x128xf32, #tpu.memory_space<vmem>>
      %dma_start3A_302 = arith.constant 0 : i32
      %dma_start3A_303 = tpu.memref_slice %arg4[%add3A_295, %dma_start3A_302] : memref<204800x128xf32, #tpu.memory_space<hbm>> -> memref<128x128xf32, #tpu.memory_space<hbm>>
      %dma_start3A_304 = tpu.memref_slice %arg8[%dma_start3A_297] : memref<5x!tpu.dma_semaphore, #tpu.memory_space<semaphore_mem>> -> memref<1x!tpu.dma_semaphore, #tpu.memory_space<semaphore_mem>>
      %dma_start3A_305 = tpu.memref_squeeze %dma_start3A_304 : memref<1x!tpu.dma_semaphore, #tpu.memory_space<semaphore_mem>> -> memref<!tpu.dma_semaphore, #tpu.memory_space<semaphore_mem>>
      %dma_start3A_306 = arith.constant 0 : i32
      %dma_start3A_307 = tpu.memref_slice %arg4[%add3A_295, %dma_start3A_306] : memref<204800x128xf32, #tpu.memory_space<hbm>> -> memref<128x128xf32, #tpu.memory_space<hbm>>
      %dma_start3A_308 = arith.constant 0 : i32
      %dma_start3A_309 = arith.constant 0 : i32
      %dma_start3A_310 = tpu.memref_slice %arg6[%dma_start3A_296, %dma_start3A_308, %dma_start3A_309] : memref<5x128x128xf32, #tpu.memory_space<vmem>> -> memref<1x128x128xf32, #tpu.memory_space<vmem>>
      %dma_start3A_311 = tpu.memref_squeeze %dma_start3A_310 : memref<1x128x128xf32, #tpu.memory_space<vmem>> -> memref<128x128xf32, #tpu.memory_space<vmem>>
      tpu.enqueue_dma source(%dma_start3A_311 : memref<128x128xf32, #tpu.memory_space<vmem>>) target(%dma_start3A_307 : memref<128x128xf32, #tpu.memory_space<hbm>>) target_semaphore(%dma_start3A_305 : memref<!tpu.dma_semaphore, #tpu.memory_space<semaphore_mem>>)
      %add3A_312 = arith.constant 2 : i32
      %add3A_313 = arith.addi %mul3A_84, %add3A_312 : i32
      %jit3A_314 = arith.constant 1 : i32
      %div3A_315 = arith.divsi %add3A_313, %jit3A_314 : i32
      %sign3A_316 = arith.constant 0 : i32
      %sign3A_317 = arith.cmpi sgt, %add3A_313, %sign3A_316 : i32
      %sign3A_318 = arith.extui %sign3A_317 : i1 to i32
      %sign3A_319 = arith.constant 0 : i32
      %sign3A_320 = arith.cmpi slt, %add3A_313, %sign3A_319 : i32
      %sign3A_321 = arith.extui %sign3A_320 : i1 to i32
      %sign3A_322 = arith.subi %sign3A_318, %sign3A_321 : i32
      %sign3A_323 = arith.constant 0 : i32
      %sign3A_324 = arith.cmpi sgt, %jit3A_314, %sign3A_323 : i32
      %sign3A_325 = arith.extui %sign3A_324 : i1 to i32
      %sign3A_326 = arith.constant 0 : i32
      %sign3A_327 = arith.cmpi slt, %jit3A_314, %sign3A_326 : i32
      %sign3A_328 = arith.extui %sign3A_327 : i1 to i32
      %sign3A_329 = arith.subi %sign3A_325, %sign3A_328 : i32
      %ne3A_330 = arith.cmpi ne, %sign3A_322, %sign3A_329 : i32
      %rem3A_331 = arith.remsi %add3A_313, %jit3A_314 : i32
      %ne3A_332 = arith.constant 0 : i32
      %ne3A_333 = arith.cmpi ne, %rem3A_331, %ne3A_332 : i32
      %and3A_334 = arith.andi %ne3A_330, %ne3A_333 : i1
      %sub3A_335 = arith.constant 1 : i32
      %sub3A_336 = arith.subi %div3A_315, %sub3A_335 : i32
      %select_n3A_337 = arith.select %and3A_334, %sub3A_336, %div3A_315 : i32
      %jit3A_338 = arith.constant 1 : i32
      %eq3A_339 = arith.constant 0 : i32
      %eq3A_340 = arith.cmpi eq, %jit3A_338, %eq3A_339 : i32
      %jit3A_341 = arith.constant 1 : i32
      %select_n3A_342 = arith.select %eq3A_340, %jit3A_341, %jit3A_338 : i32
      %rem3A_343 = arith.remsi %add3A_313, %select_n3A_342 : i32
      %ne3A_344 = arith.constant 0 : i32
      %ne3A_345 = arith.cmpi ne, %rem3A_343, %ne3A_344 : i32
      %lt3A_346 = arith.constant 0 : i32
      %lt3A_347 = arith.cmpi slt, %rem3A_343, %lt3A_346 : i32
      %lt3A_348 = arith.constant 0 : i32
      %lt3A_349 = arith.cmpi slt, %select_n3A_342, %lt3A_348 : i32
      %ne3A_350 = arith.xori %lt3A_347, %lt3A_349 : i1
      %and3A_351 = arith.andi %ne3A_350, %ne3A_345 : i1
      %add3A_352 = arith.addi %rem3A_343, %select_n3A_342 : i32
      %select_n3A_353 = arith.select %and3A_351, %add3A_352, %rem3A_343 : i32
      %mul3A_354 = arith.constant 128 : i32
      %mul3A_355 = arith.muli %select_n3A_353, %mul3A_354 : i32
      %dma_wait3A_356 = arith.constant 2 : i32
      %dma_wait3A_357 = arith.constant 2 : i32
      %dma_wait3A_358 = arith.constant 0 : i32
      %dma_wait3A_359 = arith.constant 0 : i32
      %dma_wait3A_360 = tpu.memref_slice %arg6[%dma_wait3A_356, %dma_wait3A_358, %dma_wait3A_359] : memref<5x128x128xf32, #tpu.memory_space<vmem>> -> memref<1x128x128xf32, #tpu.memory_space<vmem>>
      %dma_wait3A_361 = tpu.memref_squeeze %dma_wait3A_360 : memref<1x128x128xf32, #tpu.memory_space<vmem>> -> memref<128x128xf32, #tpu.memory_space<vmem>>
      %dma_wait3A_362 = tpu.memref_slice %arg5[%select_n3A_337, %mul3A_355] : memref<50x128xi32, #tpu.memory_space<vmem>> -> memref<1x128xi32, #tpu.memory_space<vmem>>
      %dma_wait3A_363 = tpu.memref_squeeze %dma_wait3A_362 : memref<1x128xi32, #tpu.memory_space<vmem>> -> memref<128xi32, #tpu.memory_space<vmem>>
      %dma_wait3A_364 = arith.constant 0 : i32
      %dma_wait3A_365 = arith.constant 0 : i32
      %dma_wait3A_366 = tpu.memref_slice %arg3[%dma_wait3A_364, %dma_wait3A_365] : memref<100000x128xf32, #tpu.memory_space<hbm>> -> memref<100000x128xf32, #tpu.memory_space<hbm>>
      %dma_wait3A_367 = tpu.memref_slice %arg7[%dma_wait3A_357] : memref<5x!tpu.dma_semaphore, #tpu.memory_space<semaphore_mem>> -> memref<1x!tpu.dma_semaphore, #tpu.memory_space<semaphore_mem>>
      %dma_wait3A_368 = tpu.memref_squeeze %dma_wait3A_367 : memref<1x!tpu.dma_semaphore, #tpu.memory_space<semaphore_mem>> -> memref<!tpu.dma_semaphore, #tpu.memory_space<semaphore_mem>>
      tpu.wait_indirect_dma semaphore(%dma_wait3A_368 : memref<!tpu.dma_semaphore, #tpu.memory_space<semaphore_mem>>) src(%dma_wait3A_366 : memref<100000x128xf32, #tpu.memory_space<hbm>>) dst(%dma_wait3A_361 : memref<128x128xf32, #tpu.memory_space<vmem>>)
      %jit3A_369 = arith.constant 1 : i32
      %div3A_370 = arith.divsi %add3A_313, %jit3A_369 : i32
      %sign3A_371 = arith.constant 0 : i32
      %sign3A_372 = arith.cmpi sgt, %add3A_313, %sign3A_371 : i32
      %sign3A_373 = arith.extui %sign3A_372 : i1 to i32
      %sign3A_374 = arith.constant 0 : i32
      %sign3A_375 = arith.cmpi slt, %add3A_313, %sign3A_374 : i32
      %sign3A_376 = arith.extui %sign3A_375 : i1 to i32
      %sign3A_377 = arith.subi %sign3A_373, %sign3A_376 : i32
      %sign3A_378 = arith.constant 0 : i32
      %sign3A_379 = arith.cmpi sgt, %jit3A_369, %sign3A_378 : i32
      %sign3A_380 = arith.extui %sign3A_379 : i1 to i32
      %sign3A_381 = arith.constant 0 : i32
      %sign3A_382 = arith.cmpi slt, %jit3A_369, %sign3A_381 : i32
      %sign3A_383 = arith.extui %sign3A_382 : i1 to i32
      %sign3A_384 = arith.subi %sign3A_380, %sign3A_383 : i32
      %ne3A_385 = arith.cmpi ne, %sign3A_377, %sign3A_384 : i32
      %rem3A_386 = arith.remsi %add3A_313, %jit3A_369 : i32
      %ne3A_387 = arith.constant 0 : i32
      %ne3A_388 = arith.cmpi ne, %rem3A_386, %ne3A_387 : i32
      %and3A_389 = arith.andi %ne3A_385, %ne3A_388 : i1
      %sub3A_390 = arith.constant 1 : i32
      %sub3A_391 = arith.subi %div3A_370, %sub3A_390 : i32
      %select_n3A_392 = arith.select %and3A_389, %sub3A_391, %div3A_370 : i32
      %mul3A_393 = arith.constant 4096 : i32
      %mul3A_394 = arith.muli %select_n3A_392, %mul3A_393 : i32
      %add3A_395 = arith.addi %mul3A_394, %mul3A_2 : i32
      %jit3A_396 = arith.constant 1 : i32
      %eq3A_397 = arith.constant 0 : i32
      %eq3A_398 = arith.cmpi eq, %jit3A_396, %eq3A_397 : i32
      %jit3A_399 = arith.constant 1 : i32
      %select_n3A_400 = arith.select %eq3A_398, %jit3A_399, %jit3A_396 : i32
      %rem3A_401 = arith.remsi %add3A_313, %select_n3A_400 : i32
      %ne3A_402 = arith.constant 0 : i32
      %ne3A_403 = arith.cmpi ne, %rem3A_401, %ne3A_402 : i32
      %lt3A_404 = arith.constant 0 : i32
      %lt3A_405 = arith.cmpi slt, %rem3A_401, %lt3A_404 : i32
      %lt3A_406 = arith.constant 0 : i32
      %lt3A_407 = arith.cmpi slt, %select_n3A_400, %lt3A_406 : i32
      %ne3A_408 = arith.xori %lt3A_405, %lt3A_407 : i1
      %and3A_409 = arith.andi %ne3A_408, %ne3A_403 : i1
      %add3A_410 = arith.addi %rem3A_401, %select_n3A_400 : i32
      %select_n3A_411 = arith.select %and3A_409, %add3A_410, %rem3A_401 : i32
      %mul3A_412 = arith.constant 128 : i32
      %mul3A_413 = arith.muli %select_n3A_411, %mul3A_412 : i32
      %add3A_414 = arith.addi %add3A_395, %mul3A_413 : i32
      %dma_start3A_415 = arith.constant 2 : i32
      %dma_start3A_416 = arith.constant 2 : i32
      %dma_start3A_417 = arith.constant 0 : i32
      %dma_start3A_418 = arith.constant 0 : i32
      %dma_start3A_419 = tpu.memref_slice %arg6[%dma_start3A_415, %dma_start3A_417, %dma_start3A_418] : memref<5x128x128xf32, #tpu.memory_space<vmem>> -> memref<1x128x128xf32, #tpu.memory_space<vmem>>
      %dma_start3A_420 = tpu.memref_squeeze %dma_start3A_419 : memref<1x128x128xf32, #tpu.memory_space<vmem>> -> memref<128x128xf32, #tpu.memory_space<vmem>>
      %dma_start3A_421 = arith.constant 0 : i32
      %dma_start3A_422 = tpu.memref_slice %arg4[%add3A_414, %dma_start3A_421] : memref<204800x128xf32, #tpu.memory_space<hbm>> -> memref<128x128xf32, #tpu.memory_space<hbm>>
      %dma_start3A_423 = tpu.memref_slice %arg8[%dma_start3A_416] : memref<5x!tpu.dma_semaphore, #tpu.memory_space<semaphore_mem>> -> memref<1x!tpu.dma_semaphore, #tpu.memory_space<semaphore_mem>>
      %dma_start3A_424 = tpu.memref_squeeze %dma_start3A_423 : memref<1x!tpu.dma_semaphore, #tpu.memory_space<semaphore_mem>> -> memref<!tpu.dma_semaphore, #tpu.memory_space<semaphore_mem>>
      %dma_start3A_425 = arith.constant 0 : i32
      %dma_start3A_426 = tpu.memref_slice %arg4[%add3A_414, %dma_start3A_425] : memref<204800x128xf32, #tpu.memory_space<hbm>> -> memref<128x128xf32, #tpu.memory_space<hbm>>
      %dma_start3A_427 = arith.constant 0 : i32
      %dma_start3A_428 = arith.constant 0 : i32
      %dma_start3A_429 = tpu.memref_slice %arg6[%dma_start3A_415, %dma_start3A_427, %dma_start3A_428] : memref<5x128x128xf32, #tpu.memory_space<vmem>> -> memref<1x128x128xf32, #tpu.memory_space<vmem>>
      %dma_start3A_430 = tpu.memref_squeeze %dma_start3A_429 : memref<1x128x128xf32, #tpu.memory_space<vmem>> -> memref<128x128xf32, #tpu.memory_space<vmem>>
      tpu.enqueue_dma source(%dma_start3A_430 : memref<128x128xf32, #tpu.memory_space<vmem>>) target(%dma_start3A_426 : memref<128x128xf32, #tpu.memory_space<hbm>>) target_semaphore(%dma_start3A_424 : memref<!tpu.dma_semaphore, #tpu.memory_space<semaphore_mem>>)
      %add3A_431 = arith.constant 3 : i32
      %add3A_432 = arith.addi %mul3A_84, %add3A_431 : i32
      %jit3A_433 = arith.constant 1 : i32
      %div3A_434 = arith.divsi %add3A_432, %jit3A_433 : i32
      %sign3A_435 = arith.constant 0 : i32
      %sign3A_436 = arith.cmpi sgt, %add3A_432, %sign3A_435 : i32
      %sign3A_437 = arith.extui %sign3A_436 : i1 to i32
      %sign3A_438 = arith.constant 0 : i32
      %sign3A_439 = arith.cmpi slt, %add3A_432, %sign3A_438 : i32
      %sign3A_440 = arith.extui %sign3A_439 : i1 to i32
      %sign3A_441 = arith.subi %sign3A_437, %sign3A_440 : i32
      %sign3A_442 = arith.constant 0 : i32
      %sign3A_443 = arith.cmpi sgt, %jit3A_433, %sign3A_442 : i32
      %sign3A_444 = arith.extui %sign3A_443 : i1 to i32
      %sign3A_445 = arith.constant 0 : i32
      %sign3A_446 = arith.cmpi slt, %jit3A_433, %sign3A_445 : i32
      %sign3A_447 = arith.extui %sign3A_446 : i1 to i32
      %sign3A_448 = arith.subi %sign3A_444, %sign3A_447 : i32
      %ne3A_449 = arith.cmpi ne, %sign3A_441, %sign3A_448 : i32
      %rem3A_450 = arith.remsi %add3A_432, %jit3A_433 : i32
      %ne3A_451 = arith.constant 0 : i32
      %ne3A_452 = arith.cmpi ne, %rem3A_450, %ne3A_451 : i32
      %and3A_453 = arith.andi %ne3A_449, %ne3A_452 : i1
      %sub3A_454 = arith.constant 1 : i32
      %sub3A_455 = arith.subi %div3A_434, %sub3A_454 : i32
      %select_n3A_456 = arith.select %and3A_453, %sub3A_455, %div3A_434 : i32
      %jit3A_457 = arith.constant 1 : i32
      %eq3A_458 = arith.constant 0 : i32
      %eq3A_459 = arith.cmpi eq, %jit3A_457, %eq3A_458 : i32
      %jit3A_460 = arith.constant 1 : i32
      %select_n3A_461 = arith.select %eq3A_459, %jit3A_460, %jit3A_457 : i32
      %rem3A_462 = arith.remsi %add3A_432, %select_n3A_461 : i32
      %ne3A_463 = arith.constant 0 : i32
      %ne3A_464 = arith.cmpi ne, %rem3A_462, %ne3A_463 : i32
      %lt3A_465 = arith.constant 0 : i32
      %lt3A_466 = arith.cmpi slt, %rem3A_462, %lt3A_465 : i32
      %lt3A_467 = arith.constant 0 : i32
      %lt3A_468 = arith.cmpi slt, %select_n3A_461, %lt3A_467 : i32
      %ne3A_469 = arith.xori %lt3A_466, %lt3A_468 : i1
      %and3A_470 = arith.andi %ne3A_469, %ne3A_464 : i1
      %add3A_471 = arith.addi %rem3A_462, %select_n3A_461 : i32
      %select_n3A_472 = arith.select %and3A_470, %add3A_471, %rem3A_462 : i32
      %mul3A_473 = arith.constant 128 : i32
      %mul3A_474 = arith.muli %select_n3A_472, %mul3A_473 : i32
      %dma_wait3A_475 = arith.constant 3 : i32
      %dma_wait3A_476 = arith.constant 3 : i32
      %dma_wait3A_477 = arith.constant 0 : i32
      %dma_wait3A_478 = arith.constant 0 : i32
      %dma_wait3A_479 = tpu.memref_slice %arg6[%dma_wait3A_475, %dma_wait3A_477, %dma_wait3A_478] : memref<5x128x128xf32, #tpu.memory_space<vmem>> -> memref<1x128x128xf32, #tpu.memory_space<vmem>>
      %dma_wait3A_480 = tpu.memref_squeeze %dma_wait3A_479 : memref<1x128x128xf32, #tpu.memory_space<vmem>> -> memref<128x128xf32, #tpu.memory_space<vmem>>
      %dma_wait3A_481 = tpu.memref_slice %arg5[%select_n3A_456, %mul3A_474] : memref<50x128xi32, #tpu.memory_space<vmem>> -> memref<1x128xi32, #tpu.memory_space<vmem>>
      %dma_wait3A_482 = tpu.memref_squeeze %dma_wait3A_481 : memref<1x128xi32, #tpu.memory_space<vmem>> -> memref<128xi32, #tpu.memory_space<vmem>>
      %dma_wait3A_483 = arith.constant 0 : i32
      %dma_wait3A_484 = arith.constant 0 : i32
      %dma_wait3A_485 = tpu.memref_slice %arg3[%dma_wait3A_483, %dma_wait3A_484] : memref<100000x128xf32, #tpu.memory_space<hbm>> -> memref<100000x128xf32, #tpu.memory_space<hbm>>
      %dma_wait3A_486 = tpu.memref_slice %arg7[%dma_wait3A_476] : memref<5x!tpu.dma_semaphore, #tpu.memory_space<semaphore_mem>> -> memref<1x!tpu.dma_semaphore, #tpu.memory_space<semaphore_mem>>
      %dma_wait3A_487 = tpu.memref_squeeze %dma_wait3A_486 : memref<1x!tpu.dma_semaphore, #tpu.memory_space<semaphore_mem>> -> memref<!tpu.dma_semaphore, #tpu.memory_space<semaphore_mem>>
      tpu.wait_indirect_dma semaphore(%dma_wait3A_487 : memref<!tpu.dma_semaphore, #tpu.memory_space<semaphore_mem>>) src(%dma_wait3A_485 : memref<100000x128xf32, #tpu.memory_space<hbm>>) dst(%dma_wait3A_480 : memref<128x128xf32, #tpu.memory_space<vmem>>)
      %jit3A_488 = arith.constant 1 : i32
      %div3A_489 = arith.divsi %add3A_432, %jit3A_488 : i32
      %sign3A_490 = arith.constant 0 : i32
      %sign3A_491 = arith.cmpi sgt, %add3A_432, %sign3A_490 : i32
      %sign3A_492 = arith.extui %sign3A_491 : i1 to i32
      %sign3A_493 = arith.constant 0 : i32
      %sign3A_494 = arith.cmpi slt, %add3A_432, %sign3A_493 : i32
      %sign3A_495 = arith.extui %sign3A_494 : i1 to i32
      %sign3A_496 = arith.subi %sign3A_492, %sign3A_495 : i32
      %sign3A_497 = arith.constant 0 : i32
      %sign3A_498 = arith.cmpi sgt, %jit3A_488, %sign3A_497 : i32
      %sign3A_499 = arith.extui %sign3A_498 : i1 to i32
      %sign3A_500 = arith.constant 0 : i32
      %sign3A_501 = arith.cmpi slt, %jit3A_488, %sign3A_500 : i32
      %sign3A_502 = arith.extui %sign3A_501 : i1 to i32
      %sign3A_503 = arith.subi %sign3A_499, %sign3A_502 : i32
      %ne3A_504 = arith.cmpi ne, %sign3A_496, %sign3A_503 : i32
      %rem3A_505 = arith.remsi %add3A_432, %jit3A_488 : i32
      %ne3A_506 = arith.constant 0 : i32
      %ne3A_507 = arith.cmpi ne, %rem3A_505, %ne3A_506 : i32
      %and3A_508 = arith.andi %ne3A_504, %ne3A_507 : i1
      %sub3A_509 = arith.constant 1 : i32
      %sub3A_510 = arith.subi %div3A_489, %sub3A_509 : i32
      %select_n3A_511 = arith.select %and3A_508, %sub3A_510, %div3A_489 : i32
      %mul3A_512 = arith.constant 4096 : i32
      %mul3A_513 = arith.muli %select_n3A_511, %mul3A_512 : i32
      %add3A_514 = arith.addi %mul3A_513, %mul3A_2 : i32
      %jit3A_515 = arith.constant 1 : i32
      %eq3A_516 = arith.constant 0 : i32
      %eq3A_517 = arith.cmpi eq, %jit3A_515, %eq3A_516 : i32
      %jit3A_518 = arith.constant 1 : i32
      %select_n3A_519 = arith.select %eq3A_517, %jit3A_518, %jit3A_515 : i32
      %rem3A_520 = arith.remsi %add3A_432, %select_n3A_519 : i32
      %ne3A_521 = arith.constant 0 : i32
      %ne3A_522 = arith.cmpi ne, %rem3A_520, %ne3A_521 : i32
      %lt3A_523 = arith.constant 0 : i32
      %lt3A_524 = arith.cmpi slt, %rem3A_520, %lt3A_523 : i32
      %lt3A_525 = arith.constant 0 : i32
      %lt3A_526 = arith.cmpi slt, %select_n3A_519, %lt3A_525 : i32
      %ne3A_527 = arith.xori %lt3A_524, %lt3A_526 : i1
      %and3A_528 = arith.andi %ne3A_527, %ne3A_522 : i1
      %add3A_529 = arith.addi %rem3A_520, %select_n3A_519 : i32
      %select_n3A_530 = arith.select %and3A_528, %add3A_529, %rem3A_520 : i32
      %mul3A_531 = arith.constant 128 : i32
      %mul3A_532 = arith.muli %select_n3A_530, %mul3A_531 : i32
      %add3A_533 = arith.addi %add3A_514, %mul3A_532 : i32
      %dma_start3A_534 = arith.constant 3 : i32
      %dma_start3A_535 = arith.constant 3 : i32
      %dma_start3A_536 = arith.constant 0 : i32
      %dma_start3A_537 = arith.constant 0 : i32
      %dma_start3A_538 = tpu.memref_slice %arg6[%dma_start3A_534, %dma_start3A_536, %dma_start3A_537] : memref<5x128x128xf32, #tpu.memory_space<vmem>> -> memref<1x128x128xf32, #tpu.memory_space<vmem>>
      %dma_start3A_539 = tpu.memref_squeeze %dma_start3A_538 : memref<1x128x128xf32, #tpu.memory_space<vmem>> -> memref<128x128xf32, #tpu.memory_space<vmem>>
      %dma_start3A_540 = arith.constant 0 : i32
      %dma_start3A_541 = tpu.memref_slice %arg4[%add3A_533, %dma_start3A_540] : memref<204800x128xf32, #tpu.memory_space<hbm>> -> memref<128x128xf32, #tpu.memory_space<hbm>>
      %dma_start3A_542 = tpu.memref_slice %arg8[%dma_start3A_535] : memref<5x!tpu.dma_semaphore, #tpu.memory_space<semaphore_mem>> -> memref<1x!tpu.dma_semaphore, #tpu.memory_space<semaphore_mem>>
      %dma_start3A_543 = tpu.memref_squeeze %dma_start3A_542 : memref<1x!tpu.dma_semaphore, #tpu.memory_space<semaphore_mem>> -> memref<!tpu.dma_semaphore, #tpu.memory_space<semaphore_mem>>
      %dma_start3A_544 = arith.constant 0 : i32
      %dma_start3A_545 = tpu.memref_slice %arg4[%add3A_533, %dma_start3A_544] : memref<204800x128xf32, #tpu.memory_space<hbm>> -> memref<128x128xf32, #tpu.memory_space<hbm>>
      %dma_start3A_546 = arith.constant 0 : i32
      %dma_start3A_547 = arith.constant 0 : i32
      %dma_start3A_548 = tpu.memref_slice %arg6[%dma_start3A_534, %dma_start3A_546, %dma_start3A_547] : memref<5x128x128xf32, #tpu.memory_space<vmem>> -> memref<1x128x128xf32, #tpu.memory_space<vmem>>
      %dma_start3A_549 = tpu.memref_squeeze %dma_start3A_548 : memref<1x128x128xf32, #tpu.memory_space<vmem>> -> memref<128x128xf32, #tpu.memory_space<vmem>>
      tpu.enqueue_dma source(%dma_start3A_549 : memref<128x128xf32, #tpu.memory_space<vmem>>) target(%dma_start3A_545 : memref<128x128xf32, #tpu.memory_space<hbm>>) target_semaphore(%dma_start3A_543 : memref<!tpu.dma_semaphore, #tpu.memory_space<semaphore_mem>>)
      %add3A_550 = arith.constant 4 : i32
      %add3A_551 = arith.addi %mul3A_84, %add3A_550 : i32
      %jit3A_552 = arith.constant 1 : i32
      %div3A_553 = arith.divsi %add3A_551, %jit3A_552 : i32
      %sign3A_554 = arith.constant 0 : i32
      %sign3A_555 = arith.cmpi sgt, %add3A_551, %sign3A_554 : i32
      %sign3A_556 = arith.extui %sign3A_555 : i1 to i32
      %sign3A_557 = arith.constant 0 : i32
      %sign3A_558 = arith.cmpi slt, %add3A_551, %sign3A_557 : i32
      %sign3A_559 = arith.extui %sign3A_558 : i1 to i32
      %sign3A_560 = arith.subi %sign3A_556, %sign3A_559 : i32
      %sign3A_561 = arith.constant 0 : i32
      %sign3A_562 = arith.cmpi sgt, %jit3A_552, %sign3A_561 : i32
      %sign3A_563 = arith.extui %sign3A_562 : i1 to i32
      %sign3A_564 = arith.constant 0 : i32
      %sign3A_565 = arith.cmpi slt, %jit3A_552, %sign3A_564 : i32
      %sign3A_566 = arith.extui %sign3A_565 : i1 to i32
      %sign3A_567 = arith.subi %sign3A_563, %sign3A_566 : i32
      %ne3A_568 = arith.cmpi ne, %sign3A_560, %sign3A_567 : i32
      %rem3A_569 = arith.remsi %add3A_551, %jit3A_552 : i32
      %ne3A_570 = arith.constant 0 : i32
      %ne3A_571 = arith.cmpi ne, %rem3A_569, %ne3A_570 : i32
      %and3A_572 = arith.andi %ne3A_568, %ne3A_571 : i1
      %sub3A_573 = arith.constant 1 : i32
      %sub3A_574 = arith.subi %div3A_553, %sub3A_573 : i32
      %select_n3A_575 = arith.select %and3A_572, %sub3A_574, %div3A_553 : i32
      %jit3A_576 = arith.constant 1 : i32
      %eq3A_577 = arith.constant 0 : i32
      %eq3A_578 = arith.cmpi eq, %jit3A_576, %eq3A_577 : i32
      %jit3A_579 = arith.constant 1 : i32
      %select_n3A_580 = arith.select %eq3A_578, %jit3A_579, %jit3A_576 : i32
      %rem3A_581 = arith.remsi %add3A_551, %select_n3A_580 : i32
      %ne3A_582 = arith.constant 0 : i32
      %ne3A_583 = arith.cmpi ne, %rem3A_581, %ne3A_582 : i32
      %lt3A_584 = arith.constant 0 : i32
      %lt3A_585 = arith.cmpi slt, %rem3A_581, %lt3A_584 : i32
      %lt3A_586 = arith.constant 0 : i32
      %lt3A_587 = arith.cmpi slt, %select_n3A_580, %lt3A_586 : i32
      %ne3A_588 = arith.xori %lt3A_585, %lt3A_587 : i1
      %and3A_589 = arith.andi %ne3A_588, %ne3A_583 : i1
      %add3A_590 = arith.addi %rem3A_581, %select_n3A_580 : i32
      %select_n3A_591 = arith.select %and3A_589, %add3A_590, %rem3A_581 : i32
      %mul3A_592 = arith.constant 128 : i32
      %mul3A_593 = arith.muli %select_n3A_591, %mul3A_592 : i32
      %dma_wait3A_594 = arith.constant 4 : i32
      %dma_wait3A_595 = arith.constant 4 : i32
      %dma_wait3A_596 = arith.constant 0 : i32
      %dma_wait3A_597 = arith.constant 0 : i32
      %dma_wait3A_598 = tpu.memref_slice %arg6[%dma_wait3A_594, %dma_wait3A_596, %dma_wait3A_597] : memref<5x128x128xf32, #tpu.memory_space<vmem>> -> memref<1x128x128xf32, #tpu.memory_space<vmem>>
      %dma_wait3A_599 = tpu.memref_squeeze %dma_wait3A_598 : memref<1x128x128xf32, #tpu.memory_space<vmem>> -> memref<128x128xf32, #tpu.memory_space<vmem>>
      %dma_wait3A_600 = tpu.memref_slice %arg5[%select_n3A_575, %mul3A_593] : memref<50x128xi32, #tpu.memory_space<vmem>> -> memref<1x128xi32, #tpu.memory_space<vmem>>
      %dma_wait3A_601 = tpu.memref_squeeze %dma_wait3A_600 : memref<1x128xi32, #tpu.memory_space<vmem>> -> memref<128xi32, #tpu.memory_space<vmem>>
      %dma_wait3A_602 = arith.constant 0 : i32
      %dma_wait3A_603 = arith.constant 0 : i32
      %dma_wait3A_604 = tpu.memref_slice %arg3[%dma_wait3A_602, %dma_wait3A_603] : memref<100000x128xf32, #tpu.memory_space<hbm>> -> memref<100000x128xf32, #tpu.memory_space<hbm>>
      %dma_wait3A_605 = tpu.memref_slice %arg7[%dma_wait3A_595] : memref<5x!tpu.dma_semaphore, #tpu.memory_space<semaphore_mem>> -> memref<1x!tpu.dma_semaphore, #tpu.memory_space<semaphore_mem>>
      %dma_wait3A_606 = tpu.memref_squeeze %dma_wait3A_605 : memref<1x!tpu.dma_semaphore, #tpu.memory_space<semaphore_mem>> -> memref<!tpu.dma_semaphore, #tpu.memory_space<semaphore_mem>>
      tpu.wait_indirect_dma semaphore(%dma_wait3A_606 : memref<!tpu.dma_semaphore, #tpu.memory_space<semaphore_mem>>) src(%dma_wait3A_604 : memref<100000x128xf32, #tpu.memory_space<hbm>>) dst(%dma_wait3A_599 : memref<128x128xf32, #tpu.memory_space<vmem>>)
      %jit3A_607 = arith.constant 1 : i32
      %div3A_608 = arith.divsi %add3A_551, %jit3A_607 : i32
      %sign3A_609 = arith.constant 0 : i32
      %sign3A_610 = arith.cmpi sgt, %add3A_551, %sign3A_609 : i32
      %sign3A_611 = arith.extui %sign3A_610 : i1 to i32
      %sign3A_612 = arith.constant 0 : i32
      %sign3A_613 = arith.cmpi slt, %add3A_551, %sign3A_612 : i32
      %sign3A_614 = arith.extui %sign3A_613 : i1 to i32
      %sign3A_615 = arith.subi %sign3A_611, %sign3A_614 : i32
      %sign3A_616 = arith.constant 0 : i32
      %sign3A_617 = arith.cmpi sgt, %jit3A_607, %sign3A_616 : i32
      %sign3A_618 = arith.extui %sign3A_617 : i1 to i32
      %sign3A_619 = arith.constant 0 : i32
      %sign3A_620 = arith.cmpi slt, %jit3A_607, %sign3A_619 : i32
      %sign3A_621 = arith.extui %sign3A_620 : i1 to i32
      %sign3A_622 = arith.subi %sign3A_618, %sign3A_621 : i32
      %ne3A_623 = arith.cmpi ne, %sign3A_615, %sign3A_622 : i32
      %rem3A_624 = arith.remsi %add3A_551, %jit3A_607 : i32
      %ne3A_625 = arith.constant 0 : i32
      %ne3A_626 = arith.cmpi ne, %rem3A_624, %ne3A_625 : i32
      %and3A_627 = arith.andi %ne3A_623, %ne3A_626 : i1
      %sub3A_628 = arith.constant 1 : i32
      %sub3A_629 = arith.subi %div3A_608, %sub3A_628 : i32
      %select_n3A_630 = arith.select %and3A_627, %sub3A_629, %div3A_608 : i32
      %mul3A_631 = arith.constant 4096 : i32
      %mul3A_632 = arith.muli %select_n3A_630, %mul3A_631 : i32
      %add3A_633 = arith.addi %mul3A_632, %mul3A_2 : i32
      %jit3A_634 = arith.constant 1 : i32
      %eq3A_635 = arith.constant 0 : i32
      %eq3A_636 = arith.cmpi eq, %jit3A_634, %eq3A_635 : i32
      %jit3A_637 = arith.constant 1 : i32
      %select_n3A_638 = arith.select %eq3A_636, %jit3A_637, %jit3A_634 : i32
      %rem3A_639 = arith.remsi %add3A_551, %select_n3A_638 : i32
      %ne3A_640 = arith.constant 0 : i32
      %ne3A_641 = arith.cmpi ne, %rem3A_639, %ne3A_640 : i32
      %lt3A_642 = arith.constant 0 : i32
      %lt3A_643 = arith.cmpi slt, %rem3A_639, %lt3A_642 : i32
      %lt3A_644 = arith.constant 0 : i32
      %lt3A_645 = arith.cmpi slt, %select_n3A_638, %lt3A_644 : i32
      %ne3A_646 = arith.xori %lt3A_643, %lt3A_645 : i1
      %and3A_647 = arith.andi %ne3A_646, %ne3A_641 : i1
      %add3A_648 = arith.addi %rem3A_639, %select_n3A_638 : i32
      %select_n3A_649 = arith.select %and3A_647, %add3A_648, %rem3A_639 : i32
      %mul3A_650 = arith.constant 128 : i32
      %mul3A_651 = arith.muli %select_n3A_649, %mul3A_650 : i32
      %add3A_652 = arith.addi %add3A_633, %mul3A_651 : i32
      %dma_start3A_653 = arith.constant 4 : i32
      %dma_start3A_654 = arith.constant 4 : i32
      %dma_start3A_655 = arith.constant 0 : i32
      %dma_start3A_656 = arith.constant 0 : i32
      %dma_start3A_657 = tpu.memref_slice %arg6[%dma_start3A_653, %dma_start3A_655, %dma_start3A_656] : memref<5x128x128xf32, #tpu.memory_space<vmem>> -> memref<1x128x128xf32, #tpu.memory_space<vmem>>
      %dma_start3A_658 = tpu.memref_squeeze %dma_start3A_657 : memref<1x128x128xf32, #tpu.memory_space<vmem>> -> memref<128x128xf32, #tpu.memory_space<vmem>>
      %dma_start3A_659 = arith.constant 0 : i32
      %dma_start3A_660 = tpu.memref_slice %arg4[%add3A_652, %dma_start3A_659] : memref<204800x128xf32, #tpu.memory_space<hbm>> -> memref<128x128xf32, #tpu.memory_space<hbm>>
      %dma_start3A_661 = tpu.memref_slice %arg8[%dma_start3A_654] : memref<5x!tpu.dma_semaphore, #tpu.memory_space<semaphore_mem>> -> memref<1x!tpu.dma_semaphore, #tpu.memory_space<semaphore_mem>>
      %dma_start3A_662 = tpu.memref_squeeze %dma_start3A_661 : memref<1x!tpu.dma_semaphore, #tpu.memory_space<semaphore_mem>> -> memref<!tpu.dma_semaphore, #tpu.memory_space<semaphore_mem>>
      %dma_start3A_663 = arith.constant 0 : i32
      %dma_start3A_664 = tpu.memref_slice %arg4[%add3A_652, %dma_start3A_663] : memref<204800x128xf32, #tpu.memory_space<hbm>> -> memref<128x128xf32, #tpu.memory_space<hbm>>
      %dma_start3A_665 = arith.constant 0 : i32
      %dma_start3A_666 = arith.constant 0 : i32
      %dma_start3A_667 = tpu.memref_slice %arg6[%dma_start3A_653, %dma_start3A_665, %dma_start3A_666] : memref<5x128x128xf32, #tpu.memory_space<vmem>> -> memref<1x128x128xf32, #tpu.memory_space<vmem>>
      %dma_start3A_668 = tpu.memref_squeeze %dma_start3A_667 : memref<1x128x128xf32, #tpu.memory_space<vmem>> -> memref<128x128xf32, #tpu.memory_space<vmem>>
      tpu.enqueue_dma source(%dma_start3A_668 : memref<128x128xf32, #tpu.memory_space<vmem>>) target(%dma_start3A_664 : memref<128x128xf32, #tpu.memory_space<hbm>>) target_semaphore(%dma_start3A_662 : memref<!tpu.dma_semaphore, #tpu.memory_space<semaphore_mem>>)
      %dma_wait3A_669 = arith.constant 0 : i32
      %dma_wait3A_670 = arith.constant 0 : i32
      %dma_wait3A_671 = arith.constant 0 : i32
      %dma_wait3A_672 = arith.constant 0 : i32
      %dma_wait3A_673 = tpu.memref_slice %arg6[%dma_wait3A_669, %dma_wait3A_671, %dma_wait3A_672] : memref<5x128x128xf32, #tpu.memory_space<vmem>> -> memref<1x128x128xf32, #tpu.memory_space<vmem>>
      %dma_wait3A_674 = tpu.memref_squeeze %dma_wait3A_673 : memref<1x128x128xf32, #tpu.memory_space<vmem>> -> memref<128x128xf32, #tpu.memory_space<vmem>>
      %dma_wait3A_675 = arith.constant 0 : i32
      %dma_wait3A_676 = tpu.memref_slice %arg4[%add3A_176, %dma_wait3A_675] : memref<204800x128xf32, #tpu.memory_space<hbm>> -> memref<128x128xf32, #tpu.memory_space<hbm>>
      %dma_wait3A_677 = tpu.memref_slice %arg8[%dma_wait3A_670] : memref<5x!tpu.dma_semaphore, #tpu.memory_space<semaphore_mem>> -> memref<1x!tpu.dma_semaphore, #tpu.memory_space<semaphore_mem>>
      %dma_wait3A_678 = tpu.memref_squeeze %dma_wait3A_677 : memref<1x!tpu.dma_semaphore, #tpu.memory_space<semaphore_mem>> -> memref<!tpu.dma_semaphore, #tpu.memory_space<semaphore_mem>>
      %dma_wait3A_679 = arith.constant 0 : i32
      %dma_wait3A_680 = tpu.memref_slice %arg4[%add3A_176, %dma_wait3A_679] : memref<204800x128xf32, #tpu.memory_space<hbm>> -> memref<128x128xf32, #tpu.memory_space<hbm>>
      %dma_wait3A_681 = arith.constant 0 : i32
      %dma_wait3A_682 = arith.constant 0 : i32
      %dma_wait3A_683 = tpu.memref_slice %arg6[%dma_wait3A_669, %dma_wait3A_681, %dma_wait3A_682] : memref<5x128x128xf32, #tpu.memory_space<vmem>> -> memref<1x128x128xf32, #tpu.memory_space<vmem>>
      %dma_wait3A_684 = tpu.memref_squeeze %dma_wait3A_683 : memref<1x128x128xf32, #tpu.memory_space<vmem>> -> memref<128x128xf32, #tpu.memory_space<vmem>>
      tpu.wait_dma2 semaphore(%dma_wait3A_678 : memref<!tpu.dma_semaphore, #tpu.memory_space<semaphore_mem>>) src(%dma_wait3A_684 : memref<128x128xf32, #tpu.memory_space<vmem>>) dst(%dma_wait3A_680 : memref<128x128xf32, #tpu.memory_space<hbm>>)
      %add3A_685 = arith.constant 5 : i32
      %add3A_686 = arith.addi %add3A_86, %add3A_685 : i32
      %lt3A_687 = arith.constant 50 : i32
      %lt3A_688 = arith.cmpi slt, %add3A_686, %lt3A_687 : i32
      %convert_element_type3A = arith.extui %lt3A_688 : i1 to i32
      %cond3A = arith.constant 0 : i32
      %cond3A_689 = arith.cmpi ne, %convert_element_type3A, %cond3A : i32
      scf.if %cond3A_689 {
        %add3A_782 = arith.constant 5 : i32
        %add3A_783 = arith.addi %add3A_86, %add3A_782 : i32
        %jit3A_784 = arith.constant 1 : i32
        %div3A_785 = arith.divsi %add3A_783, %jit3A_784 : i32
        %sign3A_786 = arith.constant 0 : i32
        %sign3A_787 = arith.cmpi sgt, %add3A_783, %sign3A_786 : i32
        %sign3A_788 = arith.extui %sign3A_787 : i1 to i32
        %sign3A_789 = arith.constant 0 : i32
        %sign3A_790 = arith.cmpi slt, %add3A_783, %sign3A_789 : i32
        %sign3A_791 = arith.extui %sign3A_790 : i1 to i32
        %sign3A_792 = arith.subi %sign3A_788, %sign3A_791 : i32
        %sign3A_793 = arith.constant 0 : i32
        %sign3A_794 = arith.cmpi sgt, %jit3A_784, %sign3A_793 : i32
        %sign3A_795 = arith.extui %sign3A_794 : i1 to i32
        %sign3A_796 = arith.constant 0 : i32
        %sign3A_797 = arith.cmpi slt, %jit3A_784, %sign3A_796 : i32
        %sign3A_798 = arith.extui %sign3A_797 : i1 to i32
        %sign3A_799 = arith.subi %sign3A_795, %sign3A_798 : i32
        %ne3A_800 = arith.cmpi ne, %sign3A_792, %sign3A_799 : i32
        %rem3A_801 = arith.remsi %add3A_783, %jit3A_784 : i32
        %ne3A_802 = arith.constant 0 : i32
        %ne3A_803 = arith.cmpi ne, %rem3A_801, %ne3A_802 : i32
        %and3A_804 = arith.andi %ne3A_800, %ne3A_803 : i1
        %sub3A_805 = arith.constant 1 : i32
        %sub3A_806 = arith.subi %div3A_785, %sub3A_805 : i32
        %select_n3A_807 = arith.select %and3A_804, %sub3A_806, %div3A_785 : i32
        %jit3A_808 = arith.constant 1 : i32
        %eq3A_809 = arith.constant 0 : i32
        %eq3A_810 = arith.cmpi eq, %jit3A_808, %eq3A_809 : i32
        %jit3A_811 = arith.constant 1 : i32
        %select_n3A_812 = arith.select %eq3A_810, %jit3A_811, %jit3A_808 : i32
        %rem3A_813 = arith.remsi %add3A_783, %select_n3A_812 : i32
        %ne3A_814 = arith.constant 0 : i32
        %ne3A_815 = arith.cmpi ne, %rem3A_813, %ne3A_814 : i32
        %lt3A_816 = arith.constant 0 : i32
        %lt3A_817 = arith.cmpi slt, %rem3A_813, %lt3A_816 : i32
        %lt3A_818 = arith.constant 0 : i32
        %lt3A_819 = arith.cmpi slt, %select_n3A_812, %lt3A_818 : i32
        %ne3A_820 = arith.xori %lt3A_817, %lt3A_819 : i1
        %and3A_821 = arith.andi %ne3A_820, %ne3A_815 : i1
        %add3A_822 = arith.addi %rem3A_813, %select_n3A_812 : i32
        %select_n3A_823 = arith.select %and3A_821, %add3A_822, %rem3A_813 : i32
        %mul3A_824 = arith.constant 128 : i32
        %mul3A_825 = arith.muli %select_n3A_823, %mul3A_824 : i32
        %dma_start3A_826 = arith.constant 0 : i32
        %dma_start3A_827 = arith.constant 0 : i32
        %dma_start3A_828 = arith.constant 0 : i32
        %dma_start3A_829 = arith.constant 0 : i32
        %dma_start3A_830 = tpu.memref_slice %arg6[%dma_start3A_826, %dma_start3A_828, %dma_start3A_829] : memref<5x128x128xf32, #tpu.memory_space<vmem>> -> memref<1x128x128xf32, #tpu.memory_space<vmem>>
        %dma_start3A_831 = tpu.memref_squeeze %dma_start3A_830 : memref<1x128x128xf32, #tpu.memory_space<vmem>> -> memref<128x128xf32, #tpu.memory_space<vmem>>
        %dma_start3A_832 = tpu.memref_slice %arg5[%select_n3A_807, %mul3A_825] : memref<50x128xi32, #tpu.memory_space<vmem>> -> memref<1x128xi32, #tpu.memory_space<vmem>>
        %dma_start3A_833 = tpu.memref_squeeze %dma_start3A_832 : memref<1x128xi32, #tpu.memory_space<vmem>> -> memref<128xi32, #tpu.memory_space<vmem>>
        %dma_start3A_834 = arith.constant 0 : i32
        %dma_start3A_835 = arith.constant 0 : i32
        %dma_start3A_836 = tpu.memref_slice %arg3[%dma_start3A_834, %dma_start3A_835] : memref<100000x128xf32, #tpu.memory_space<hbm>> -> memref<100000x128xf32, #tpu.memory_space<hbm>>
        %dma_start3A_837 = tpu.memref_slice %arg7[%dma_start3A_827] : memref<5x!tpu.dma_semaphore, #tpu.memory_space<semaphore_mem>> -> memref<1x!tpu.dma_semaphore, #tpu.memory_space<semaphore_mem>>
        %dma_start3A_838 = tpu.memref_squeeze %dma_start3A_837 : memref<1x!tpu.dma_semaphore, #tpu.memory_space<semaphore_mem>> -> memref<!tpu.dma_semaphore, #tpu.memory_space<semaphore_mem>>
        tpu.enqueue_indirect_dma source(%dma_start3A_836 : memref<100000x128xf32, #tpu.memory_space<hbm>>) target(%dma_start3A_831 : memref<128x128xf32, #tpu.memory_space<vmem>>) offsets(%dma_start3A_833 : memref<128xi32, #tpu.memory_space<vmem>>) semaphore(%dma_start3A_838 : memref<!tpu.dma_semaphore, #tpu.memory_space<semaphore_mem>>)
      } else {
      }
      %dma_wait3A_690 = arith.constant 1 : i32
      %dma_wait3A_691 = arith.constant 1 : i32
      %dma_wait3A_692 = arith.constant 0 : i32
      %dma_wait3A_693 = arith.constant 0 : i32
      %dma_wait3A_694 = tpu.memref_slice %arg6[%dma_wait3A_690, %dma_wait3A_692, %dma_wait3A_693] : memref<5x128x128xf32, #tpu.memory_space<vmem>> -> memref<1x128x128xf32, #tpu.memory_space<vmem>>
      %dma_wait3A_695 = tpu.memref_squeeze %dma_wait3A_694 : memref<1x128x128xf32, #tpu.memory_space<vmem>> -> memref<128x128xf32, #tpu.memory_space<vmem>>
      %dma_wait3A_696 = arith.constant 0 : i32
      %dma_wait3A_697 = tpu.memref_slice %arg4[%add3A_295, %dma_wait3A_696] : memref<204800x128xf32, #tpu.memory_space<hbm>> -> memref<128x128xf32, #tpu.memory_space<hbm>>
      %dma_wait3A_698 = tpu.memref_slice %arg8[%dma_wait3A_691] : memref<5x!tpu.dma_semaphore, #tpu.memory_space<semaphore_mem>> -> memref<1x!tpu.dma_semaphore, #tpu.memory_space<semaphore_mem>>
      %dma_wait3A_699 = tpu.memref_squeeze %dma_wait3A_698 : memref<1x!tpu.dma_semaphore, #tpu.memory_space<semaphore_mem>> -> memref<!tpu.dma_semaphore, #tpu.memory_space<semaphore_mem>>
      %dma_wait3A_700 = arith.constant 0 : i32
      %dma_wait3A_701 = tpu.memref_slice %arg4[%add3A_295, %dma_wait3A_700] : memref<204800x128xf32, #tpu.memory_space<hbm>> -> memref<128x128xf32, #tpu.memory_space<hbm>>
      %dma_wait3A_702 = arith.constant 0 : i32
      %dma_wait3A_703 = arith.constant 0 : i32
      %dma_wait3A_704 = tpu.memref_slice %arg6[%dma_wait3A_690, %dma_wait3A_702, %dma_wait3A_703] : memref<5x128x128xf32, #tpu.memory_space<vmem>> -> memref<1x128x128xf32, #tpu.memory_space<vmem>>
      %dma_wait3A_705 = tpu.memref_squeeze %dma_wait3A_704 : memref<1x128x128xf32, #tpu.memory_space<vmem>> -> memref<128x128xf32, #tpu.memory_space<vmem>>
      tpu.wait_dma2 semaphore(%dma_wait3A_699 : memref<!tpu.dma_semaphore, #tpu.memory_space<semaphore_mem>>) src(%dma_wait3A_705 : memref<128x128xf32, #tpu.memory_space<vmem>>) dst(%dma_wait3A_701 : memref<128x128xf32, #tpu.memory_space<hbm>>)
      %add3A_706 = arith.constant 5 : i32
      %add3A_707 = arith.addi %add3A_194, %add3A_706 : i32
      %lt3A_708 = arith.constant 50 : i32
      %lt3A_709 = arith.cmpi slt, %add3A_707, %lt3A_708 : i32
      %convert_element_type3A_710 = arith.extui %lt3A_709 : i1 to i32
      %cond3A_711 = arith.constant 0 : i32
      %cond3A_712 = arith.cmpi ne, %convert_element_type3A_710, %cond3A_711 : i32
      scf.if %cond3A_712 {
        %add3A_782 = arith.constant 5 : i32
        %add3A_783 = arith.addi %add3A_194, %add3A_782 : i32
        %jit3A_784 = arith.constant 1 : i32
        %div3A_785 = arith.divsi %add3A_783, %jit3A_784 : i32
        %sign3A_786 = arith.constant 0 : i32
        %sign3A_787 = arith.cmpi sgt, %add3A_783, %sign3A_786 : i32
        %sign3A_788 = arith.extui %sign3A_787 : i1 to i32
        %sign3A_789 = arith.constant 0 : i32
        %sign3A_790 = arith.cmpi slt, %add3A_783, %sign3A_789 : i32
        %sign3A_791 = arith.extui %sign3A_790 : i1 to i32
        %sign3A_792 = arith.subi %sign3A_788, %sign3A_791 : i32
        %sign3A_793 = arith.constant 0 : i32
        %sign3A_794 = arith.cmpi sgt, %jit3A_784, %sign3A_793 : i32
        %sign3A_795 = arith.extui %sign3A_794 : i1 to i32
        %sign3A_796 = arith.constant 0 : i32
        %sign3A_797 = arith.cmpi slt, %jit3A_784, %sign3A_796 : i32
        %sign3A_798 = arith.extui %sign3A_797 : i1 to i32
        %sign3A_799 = arith.subi %sign3A_795, %sign3A_798 : i32
        %ne3A_800 = arith.cmpi ne, %sign3A_792, %sign3A_799 : i32
        %rem3A_801 = arith.remsi %add3A_783, %jit3A_784 : i32
        %ne3A_802 = arith.constant 0 : i32
        %ne3A_803 = arith.cmpi ne, %rem3A_801, %ne3A_802 : i32
        %and3A_804 = arith.andi %ne3A_800, %ne3A_803 : i1
        %sub3A_805 = arith.constant 1 : i32
        %sub3A_806 = arith.subi %div3A_785, %sub3A_805 : i32
        %select_n3A_807 = arith.select %and3A_804, %sub3A_806, %div3A_785 : i32
        %jit3A_808 = arith.constant 1 : i32
        %eq3A_809 = arith.constant 0 : i32
        %eq3A_810 = arith.cmpi eq, %jit3A_808, %eq3A_809 : i32
        %jit3A_811 = arith.constant 1 : i32
        %select_n3A_812 = arith.select %eq3A_810, %jit3A_811, %jit3A_808 : i32
        %rem3A_813 = arith.remsi %add3A_783, %select_n3A_812 : i32
        %ne3A_814 = arith.constant 0 : i32
        %ne3A_815 = arith.cmpi ne, %rem3A_813, %ne3A_814 : i32
        %lt3A_816 = arith.constant 0 : i32
        %lt3A_817 = arith.cmpi slt, %rem3A_813, %lt3A_816 : i32
        %lt3A_818 = arith.constant 0 : i32
        %lt3A_819 = arith.cmpi slt, %select_n3A_812, %lt3A_818 : i32
        %ne3A_820 = arith.xori %lt3A_817, %lt3A_819 : i1
        %and3A_821 = arith.andi %ne3A_820, %ne3A_815 : i1
        %add3A_822 = arith.addi %rem3A_813, %select_n3A_812 : i32
        %select_n3A_823 = arith.select %and3A_821, %add3A_822, %rem3A_813 : i32
        %mul3A_824 = arith.constant 128 : i32
        %mul3A_825 = arith.muli %select_n3A_823, %mul3A_824 : i32
        %dma_start3A_826 = arith.constant 1 : i32
        %dma_start3A_827 = arith.constant 1 : i32
        %dma_start3A_828 = arith.constant 0 : i32
        %dma_start3A_829 = arith.constant 0 : i32
        %dma_start3A_830 = tpu.memref_slice %arg6[%dma_start3A_826, %dma_start3A_828, %dma_start3A_829] : memref<5x128x128xf32, #tpu.memory_space<vmem>> -> memref<1x128x128xf32, #tpu.memory_space<vmem>>
        %dma_start3A_831 = tpu.memref_squeeze %dma_start3A_830 : memref<1x128x128xf32, #tpu.memory_space<vmem>> -> memref<128x128xf32, #tpu.memory_space<vmem>>
        %dma_start3A_832 = tpu.memref_slice %arg5[%select_n3A_807, %mul3A_825] : memref<50x128xi32, #tpu.memory_space<vmem>> -> memref<1x128xi32, #tpu.memory_space<vmem>>
        %dma_start3A_833 = tpu.memref_squeeze %dma_start3A_832 : memref<1x128xi32, #tpu.memory_space<vmem>> -> memref<128xi32, #tpu.memory_space<vmem>>
        %dma_start3A_834 = arith.constant 0 : i32
        %dma_start3A_835 = arith.constant 0 : i32
        %dma_start3A_836 = tpu.memref_slice %arg3[%dma_start3A_834, %dma_start3A_835] : memref<100000x128xf32, #tpu.memory_space<hbm>> -> memref<100000x128xf32, #tpu.memory_space<hbm>>
        %dma_start3A_837 = tpu.memref_slice %arg7[%dma_start3A_827] : memref<5x!tpu.dma_semaphore, #tpu.memory_space<semaphore_mem>> -> memref<1x!tpu.dma_semaphore, #tpu.memory_space<semaphore_mem>>
        %dma_start3A_838 = tpu.memref_squeeze %dma_start3A_837 : memref<1x!tpu.dma_semaphore, #tpu.memory_space<semaphore_mem>> -> memref<!tpu.dma_semaphore, #tpu.memory_space<semaphore_mem>>
        tpu.enqueue_indirect_dma source(%dma_start3A_836 : memref<100000x128xf32, #tpu.memory_space<hbm>>) target(%dma_start3A_831 : memref<128x128xf32, #tpu.memory_space<vmem>>) offsets(%dma_start3A_833 : memref<128xi32, #tpu.memory_space<vmem>>) semaphore(%dma_start3A_838 : memref<!tpu.dma_semaphore, #tpu.memory_space<semaphore_mem>>)
      } else {
      }
      %dma_wait3A_713 = arith.constant 2 : i32
      %dma_wait3A_714 = arith.constant 2 : i32
      %dma_wait3A_715 = arith.constant 0 : i32
      %dma_wait3A_716 = arith.constant 0 : i32
      %dma_wait3A_717 = tpu.memref_slice %arg6[%dma_wait3A_713, %dma_wait3A_715, %dma_wait3A_716] : memref<5x128x128xf32, #tpu.memory_space<vmem>> -> memref<1x128x128xf32, #tpu.memory_space<vmem>>
      %dma_wait3A_718 = tpu.memref_squeeze %dma_wait3A_717 : memref<1x128x128xf32, #tpu.memory_space<vmem>> -> memref<128x128xf32, #tpu.memory_space<vmem>>
      %dma_wait3A_719 = arith.constant 0 : i32
      %dma_wait3A_720 = tpu.memref_slice %arg4[%add3A_414, %dma_wait3A_719] : memref<204800x128xf32, #tpu.memory_space<hbm>> -> memref<128x128xf32, #tpu.memory_space<hbm>>
      %dma_wait3A_721 = tpu.memref_slice %arg8[%dma_wait3A_714] : memref<5x!tpu.dma_semaphore, #tpu.memory_space<semaphore_mem>> -> memref<1x!tpu.dma_semaphore, #tpu.memory_space<semaphore_mem>>
      %dma_wait3A_722 = tpu.memref_squeeze %dma_wait3A_721 : memref<1x!tpu.dma_semaphore, #tpu.memory_space<semaphore_mem>> -> memref<!tpu.dma_semaphore, #tpu.memory_space<semaphore_mem>>
      %dma_wait3A_723 = arith.constant 0 : i32
      %dma_wait3A_724 = tpu.memref_slice %arg4[%add3A_414, %dma_wait3A_723] : memref<204800x128xf32, #tpu.memory_space<hbm>> -> memref<128x128xf32, #tpu.memory_space<hbm>>
      %dma_wait3A_725 = arith.constant 0 : i32
      %dma_wait3A_726 = arith.constant 0 : i32
      %dma_wait3A_727 = tpu.memref_slice %arg6[%dma_wait3A_713, %dma_wait3A_725, %dma_wait3A_726] : memref<5x128x128xf32, #tpu.memory_space<vmem>> -> memref<1x128x128xf32, #tpu.memory_space<vmem>>
      %dma_wait3A_728 = tpu.memref_squeeze %dma_wait3A_727 : memref<1x128x128xf32, #tpu.memory_space<vmem>> -> memref<128x128xf32, #tpu.memory_space<vmem>>
      tpu.wait_dma2 semaphore(%dma_wait3A_722 : memref<!tpu.dma_semaphore, #tpu.memory_space<semaphore_mem>>) src(%dma_wait3A_728 : memref<128x128xf32, #tpu.memory_space<vmem>>) dst(%dma_wait3A_724 : memref<128x128xf32, #tpu.memory_space<hbm>>)
      %add3A_729 = arith.constant 5 : i32
      %add3A_730 = arith.addi %add3A_313, %add3A_729 : i32
      %lt3A_731 = arith.constant 50 : i32
      %lt3A_732 = arith.cmpi slt, %add3A_730, %lt3A_731 : i32
      %convert_element_type3A_733 = arith.extui %lt3A_732 : i1 to i32
      %cond3A_734 = arith.constant 0 : i32
      %cond3A_735 = arith.cmpi ne, %convert_element_type3A_733, %cond3A_734 : i32
      scf.if %cond3A_735 {
        %add3A_782 = arith.constant 5 : i32
        %add3A_783 = arith.addi %add3A_313, %add3A_782 : i32
        %jit3A_784 = arith.constant 1 : i32
        %div3A_785 = arith.divsi %add3A_783, %jit3A_784 : i32
        %sign3A_786 = arith.constant 0 : i32
        %sign3A_787 = arith.cmpi sgt, %add3A_783, %sign3A_786 : i32
        %sign3A_788 = arith.extui %sign3A_787 : i1 to i32
        %sign3A_789 = arith.constant 0 : i32
        %sign3A_790 = arith.cmpi slt, %add3A_783, %sign3A_789 : i32
        %sign3A_791 = arith.extui %sign3A_790 : i1 to i32
        %sign3A_792 = arith.subi %sign3A_788, %sign3A_791 : i32
        %sign3A_793 = arith.constant 0 : i32
        %sign3A_794 = arith.cmpi sgt, %jit3A_784, %sign3A_793 : i32
        %sign3A_795 = arith.extui %sign3A_794 : i1 to i32
        %sign3A_796 = arith.constant 0 : i32
        %sign3A_797 = arith.cmpi slt, %jit3A_784, %sign3A_796 : i32
        %sign3A_798 = arith.extui %sign3A_797 : i1 to i32
        %sign3A_799 = arith.subi %sign3A_795, %sign3A_798 : i32
        %ne3A_800 = arith.cmpi ne, %sign3A_792, %sign3A_799 : i32
        %rem3A_801 = arith.remsi %add3A_783, %jit3A_784 : i32
        %ne3A_802 = arith.constant 0 : i32
        %ne3A_803 = arith.cmpi ne, %rem3A_801, %ne3A_802 : i32
        %and3A_804 = arith.andi %ne3A_800, %ne3A_803 : i1
        %sub3A_805 = arith.constant 1 : i32
        %sub3A_806 = arith.subi %div3A_785, %sub3A_805 : i32
        %select_n3A_807 = arith.select %and3A_804, %sub3A_806, %div3A_785 : i32
        %jit3A_808 = arith.constant 1 : i32
        %eq3A_809 = arith.constant 0 : i32
        %eq3A_810 = arith.cmpi eq, %jit3A_808, %eq3A_809 : i32
        %jit3A_811 = arith.constant 1 : i32
        %select_n3A_812 = arith.select %eq3A_810, %jit3A_811, %jit3A_808 : i32
        %rem3A_813 = arith.remsi %add3A_783, %select_n3A_812 : i32
        %ne3A_814 = arith.constant 0 : i32
        %ne3A_815 = arith.cmpi ne, %rem3A_813, %ne3A_814 : i32
        %lt3A_816 = arith.constant 0 : i32
        %lt3A_817 = arith.cmpi slt, %rem3A_813, %lt3A_816 : i32
        %lt3A_818 = arith.constant 0 : i32
        %lt3A_819 = arith.cmpi slt, %select_n3A_812, %lt3A_818 : i32
        %ne3A_820 = arith.xori %lt3A_817, %lt3A_819 : i1
        %and3A_821 = arith.andi %ne3A_820, %ne3A_815 : i1
        %add3A_822 = arith.addi %rem3A_813, %select_n3A_812 : i32
        %select_n3A_823 = arith.select %and3A_821, %add3A_822, %rem3A_813 : i32
        %mul3A_824 = arith.constant 128 : i32
        %mul3A_825 = arith.muli %select_n3A_823, %mul3A_824 : i32
        %dma_start3A_826 = arith.constant 2 : i32
        %dma_start3A_827 = arith.constant 2 : i32
        %dma_start3A_828 = arith.constant 0 : i32
        %dma_start3A_829 = arith.constant 0 : i32
        %dma_start3A_830 = tpu.memref_slice %arg6[%dma_start3A_826, %dma_start3A_828, %dma_start3A_829] : memref<5x128x128xf32, #tpu.memory_space<vmem>> -> memref<1x128x128xf32, #tpu.memory_space<vmem>>
        %dma_start3A_831 = tpu.memref_squeeze %dma_start3A_830 : memref<1x128x128xf32, #tpu.memory_space<vmem>> -> memref<128x128xf32, #tpu.memory_space<vmem>>
        %dma_start3A_832 = tpu.memref_slice %arg5[%select_n3A_807, %mul3A_825] : memref<50x128xi32, #tpu.memory_space<vmem>> -> memref<1x128xi32, #tpu.memory_space<vmem>>
        %dma_start3A_833 = tpu.memref_squeeze %dma_start3A_832 : memref<1x128xi32, #tpu.memory_space<vmem>> -> memref<128xi32, #tpu.memory_space<vmem>>
        %dma_start3A_834 = arith.constant 0 : i32
        %dma_start3A_835 = arith.constant 0 : i32
        %dma_start3A_836 = tpu.memref_slice %arg3[%dma_start3A_834, %dma_start3A_835] : memref<100000x128xf32, #tpu.memory_space<hbm>> -> memref<100000x128xf32, #tpu.memory_space<hbm>>
        %dma_start3A_837 = tpu.memref_slice %arg7[%dma_start3A_827] : memref<5x!tpu.dma_semaphore, #tpu.memory_space<semaphore_mem>> -> memref<1x!tpu.dma_semaphore, #tpu.memory_space<semaphore_mem>>
        %dma_start3A_838 = tpu.memref_squeeze %dma_start3A_837 : memref<1x!tpu.dma_semaphore, #tpu.memory_space<semaphore_mem>> -> memref<!tpu.dma_semaphore, #tpu.memory_space<semaphore_mem>>
        tpu.enqueue_indirect_dma source(%dma_start3A_836 : memref<100000x128xf32, #tpu.memory_space<hbm>>) target(%dma_start3A_831 : memref<128x128xf32, #tpu.memory_space<vmem>>) offsets(%dma_start3A_833 : memref<128xi32, #tpu.memory_space<vmem>>) semaphore(%dma_start3A_838 : memref<!tpu.dma_semaphore, #tpu.memory_space<semaphore_mem>>)
      } else {
      }
      %dma_wait3A_736 = arith.constant 3 : i32
      %dma_wait3A_737 = arith.constant 3 : i32
      %dma_wait3A_738 = arith.constant 0 : i32
      %dma_wait3A_739 = arith.constant 0 : i32
      %dma_wait3A_740 = tpu.memref_slice %arg6[%dma_wait3A_736, %dma_wait3A_738, %dma_wait3A_739] : memref<5x128x128xf32, #tpu.memory_space<vmem>> -> memref<1x128x128xf32, #tpu.memory_space<vmem>>
      %dma_wait3A_741 = tpu.memref_squeeze %dma_wait3A_740 : memref<1x128x128xf32, #tpu.memory_space<vmem>> -> memref<128x128xf32, #tpu.memory_space<vmem>>
      %dma_wait3A_742 = arith.constant 0 : i32
      %dma_wait3A_743 = tpu.memref_slice %arg4[%add3A_533, %dma_wait3A_742] : memref<204800x128xf32, #tpu.memory_space<hbm>> -> memref<128x128xf32, #tpu.memory_space<hbm>>
      %dma_wait3A_744 = tpu.memref_slice %arg8[%dma_wait3A_737] : memref<5x!tpu.dma_semaphore, #tpu.memory_space<semaphore_mem>> -> memref<1x!tpu.dma_semaphore, #tpu.memory_space<semaphore_mem>>
      %dma_wait3A_745 = tpu.memref_squeeze %dma_wait3A_744 : memref<1x!tpu.dma_semaphore, #tpu.memory_space<semaphore_mem>> -> memref<!tpu.dma_semaphore, #tpu.memory_space<semaphore_mem>>
      %dma_wait3A_746 = arith.constant 0 : i32
      %dma_wait3A_747 = tpu.memref_slice %arg4[%add3A_533, %dma_wait3A_746] : memref<204800x128xf32, #tpu.memory_space<hbm>> -> memref<128x128xf32, #tpu.memory_space<hbm>>
      %dma_wait3A_748 = arith.constant 0 : i32
      %dma_wait3A_749 = arith.constant 0 : i32
      %dma_wait3A_750 = tpu.memref_slice %arg6[%dma_wait3A_736, %dma_wait3A_748, %dma_wait3A_749] : memref<5x128x128xf32, #tpu.memory_space<vmem>> -> memref<1x128x128xf32, #tpu.memory_space<vmem>>
      %dma_wait3A_751 = tpu.memref_squeeze %dma_wait3A_750 : memref<1x128x128xf32, #tpu.memory_space<vmem>> -> memref<128x128xf32, #tpu.memory_space<vmem>>
      tpu.wait_dma2 semaphore(%dma_wait3A_745 : memref<!tpu.dma_semaphore, #tpu.memory_space<semaphore_mem>>) src(%dma_wait3A_751 : memref<128x128xf32, #tpu.memory_space<vmem>>) dst(%dma_wait3A_747 : memref<128x128xf32, #tpu.memory_space<hbm>>)
      %add3A_752 = arith.constant 5 : i32
      %add3A_753 = arith.addi %add3A_432, %add3A_752 : i32
      %lt3A_754 = arith.constant 50 : i32
      %lt3A_755 = arith.cmpi slt, %add3A_753, %lt3A_754 : i32
      %convert_element_type3A_756 = arith.extui %lt3A_755 : i1 to i32
      %cond3A_757 = arith.constant 0 : i32
      %cond3A_758 = arith.cmpi ne, %convert_element_type3A_756, %cond3A_757 : i32
      scf.if %cond3A_758 {
        %add3A_782 = arith.constant 5 : i32
        %add3A_783 = arith.addi %add3A_432, %add3A_782 : i32
        %jit3A_784 = arith.constant 1 : i32
        %div3A_785 = arith.divsi %add3A_783, %jit3A_784 : i32
        %sign3A_786 = arith.constant 0 : i32
        %sign3A_787 = arith.cmpi sgt, %add3A_783, %sign3A_786 : i32
        %sign3A_788 = arith.extui %sign3A_787 : i1 to i32
        %sign3A_789 = arith.constant 0 : i32
        %sign3A_790 = arith.cmpi slt, %add3A_783, %sign3A_789 : i32
        %sign3A_791 = arith.extui %sign3A_790 : i1 to i32
        %sign3A_792 = arith.subi %sign3A_788, %sign3A_791 : i32
        %sign3A_793 = arith.constant 0 : i32
        %sign3A_794 = arith.cmpi sgt, %jit3A_784, %sign3A_793 : i32
        %sign3A_795 = arith.extui %sign3A_794 : i1 to i32
        %sign3A_796 = arith.constant 0 : i32
        %sign3A_797 = arith.cmpi slt, %jit3A_784, %sign3A_796 : i32
        %sign3A_798 = arith.extui %sign3A_797 : i1 to i32
        %sign3A_799 = arith.subi %sign3A_795, %sign3A_798 : i32
        %ne3A_800 = arith.cmpi ne, %sign3A_792, %sign3A_799 : i32
        %rem3A_801 = arith.remsi %add3A_783, %jit3A_784 : i32
        %ne3A_802 = arith.constant 0 : i32
        %ne3A_803 = arith.cmpi ne, %rem3A_801, %ne3A_802 : i32
        %and3A_804 = arith.andi %ne3A_800, %ne3A_803 : i1
        %sub3A_805 = arith.constant 1 : i32
        %sub3A_806 = arith.subi %div3A_785, %sub3A_805 : i32
        %select_n3A_807 = arith.select %and3A_804, %sub3A_806, %div3A_785 : i32
        %jit3A_808 = arith.constant 1 : i32
        %eq3A_809 = arith.constant 0 : i32
        %eq3A_810 = arith.cmpi eq, %jit3A_808, %eq3A_809 : i32
        %jit3A_811 = arith.constant 1 : i32
        %select_n3A_812 = arith.select %eq3A_810, %jit3A_811, %jit3A_808 : i32
        %rem3A_813 = arith.remsi %add3A_783, %select_n3A_812 : i32
        %ne3A_814 = arith.constant 0 : i32
        %ne3A_815 = arith.cmpi ne, %rem3A_813, %ne3A_814 : i32
        %lt3A_816 = arith.constant 0 : i32
        %lt3A_817 = arith.cmpi slt, %rem3A_813, %lt3A_816 : i32
        %lt3A_818 = arith.constant 0 : i32
        %lt3A_819 = arith.cmpi slt, %select_n3A_812, %lt3A_818 : i32
        %ne3A_820 = arith.xori %lt3A_817, %lt3A_819 : i1
        %and3A_821 = arith.andi %ne3A_820, %ne3A_815 : i1
        %add3A_822 = arith.addi %rem3A_813, %select_n3A_812 : i32
        %select_n3A_823 = arith.select %and3A_821, %add3A_822, %rem3A_813 : i32
        %mul3A_824 = arith.constant 128 : i32
        %mul3A_825 = arith.muli %select_n3A_823, %mul3A_824 : i32
        %dma_start3A_826 = arith.constant 3 : i32
        %dma_start3A_827 = arith.constant 3 : i32
        %dma_start3A_828 = arith.constant 0 : i32
        %dma_start3A_829 = arith.constant 0 : i32
        %dma_start3A_830 = tpu.memref_slice %arg6[%dma_start3A_826, %dma_start3A_828, %dma_start3A_829] : memref<5x128x128xf32, #tpu.memory_space<vmem>> -> memref<1x128x128xf32, #tpu.memory_space<vmem>>
        %dma_start3A_831 = tpu.memref_squeeze %dma_start3A_830 : memref<1x128x128xf32, #tpu.memory_space<vmem>> -> memref<128x128xf32, #tpu.memory_space<vmem>>
        %dma_start3A_832 = tpu.memref_slice %arg5[%select_n3A_807, %mul3A_825] : memref<50x128xi32, #tpu.memory_space<vmem>> -> memref<1x128xi32, #tpu.memory_space<vmem>>
        %dma_start3A_833 = tpu.memref_squeeze %dma_start3A_832 : memref<1x128xi32, #tpu.memory_space<vmem>> -> memref<128xi32, #tpu.memory_space<vmem>>
        %dma_start3A_834 = arith.constant 0 : i32
        %dma_start3A_835 = arith.constant 0 : i32
        %dma_start3A_836 = tpu.memref_slice %arg3[%dma_start3A_834, %dma_start3A_835] : memref<100000x128xf32, #tpu.memory_space<hbm>> -> memref<100000x128xf32, #tpu.memory_space<hbm>>
        %dma_start3A_837 = tpu.memref_slice %arg7[%dma_start3A_827] : memref<5x!tpu.dma_semaphore, #tpu.memory_space<semaphore_mem>> -> memref<1x!tpu.dma_semaphore, #tpu.memory_space<semaphore_mem>>
        %dma_start3A_838 = tpu.memref_squeeze %dma_start3A_837 : memref<1x!tpu.dma_semaphore, #tpu.memory_space<semaphore_mem>> -> memref<!tpu.dma_semaphore, #tpu.memory_space<semaphore_mem>>
        tpu.enqueue_indirect_dma source(%dma_start3A_836 : memref<100000x128xf32, #tpu.memory_space<hbm>>) target(%dma_start3A_831 : memref<128x128xf32, #tpu.memory_space<vmem>>) offsets(%dma_start3A_833 : memref<128xi32, #tpu.memory_space<vmem>>) semaphore(%dma_start3A_838 : memref<!tpu.dma_semaphore, #tpu.memory_space<semaphore_mem>>)
      } else {
      }
      %dma_wait3A_759 = arith.constant 4 : i32
      %dma_wait3A_760 = arith.constant 4 : i32
      %dma_wait3A_761 = arith.constant 0 : i32
      %dma_wait3A_762 = arith.constant 0 : i32
      %dma_wait3A_763 = tpu.memref_slice %arg6[%dma_wait3A_759, %dma_wait3A_761, %dma_wait3A_762] : memref<5x128x128xf32, #tpu.memory_space<vmem>> -> memref<1x128x128xf32, #tpu.memory_space<vmem>>
      %dma_wait3A_764 = tpu.memref_squeeze %dma_wait3A_763 : memref<1x128x128xf32, #tpu.memory_space<vmem>> -> memref<128x128xf32, #tpu.memory_space<vmem>>
      %dma_wait3A_765 = arith.constant 0 : i32
      %dma_wait3A_766 = tpu.memref_slice %arg4[%add3A_652, %dma_wait3A_765] : memref<204800x128xf32, #tpu.memory_space<hbm>> -> memref<128x128xf32, #tpu.memory_space<hbm>>
      %dma_wait3A_767 = tpu.memref_slice %arg8[%dma_wait3A_760] : memref<5x!tpu.dma_semaphore, #tpu.memory_space<semaphore_mem>> -> memref<1x!tpu.dma_semaphore, #tpu.memory_space<semaphore_mem>>
      %dma_wait3A_768 = tpu.memref_squeeze %dma_wait3A_767 : memref<1x!tpu.dma_semaphore, #tpu.memory_space<semaphore_mem>> -> memref<!tpu.dma_semaphore, #tpu.memory_space<semaphore_mem>>
      %dma_wait3A_769 = arith.constant 0 : i32
      %dma_wait3A_770 = tpu.memref_slice %arg4[%add3A_652, %dma_wait3A_769] : memref<204800x128xf32, #tpu.memory_space<hbm>> -> memref<128x128xf32, #tpu.memory_space<hbm>>
      %dma_wait3A_771 = arith.constant 0 : i32
      %dma_wait3A_772 = arith.constant 0 : i32
      %dma_wait3A_773 = tpu.memref_slice %arg6[%dma_wait3A_759, %dma_wait3A_771, %dma_wait3A_772] : memref<5x128x128xf32, #tpu.memory_space<vmem>> -> memref<1x128x128xf32, #tpu.memory_space<vmem>>
      %dma_wait3A_774 = tpu.memref_squeeze %dma_wait3A_773 : memref<1x128x128xf32, #tpu.memory_space<vmem>> -> memref<128x128xf32, #tpu.memory_space<vmem>>
      tpu.wait_dma2 semaphore(%dma_wait3A_768 : memref<!tpu.dma_semaphore, #tpu.memory_space<semaphore_mem>>) src(%dma_wait3A_774 : memref<128x128xf32, #tpu.memory_space<vmem>>) dst(%dma_wait3A_770 : memref<128x128xf32, #tpu.memory_space<hbm>>)
      %add3A_775 = arith.constant 5 : i32
      %add3A_776 = arith.addi %add3A_551, %add3A_775 : i32
      %lt3A_777 = arith.constant 50 : i32
      %lt3A_778 = arith.cmpi slt, %add3A_776, %lt3A_777 : i32
      %convert_element_type3A_779 = arith.extui %lt3A_778 : i1 to i32
      %cond3A_780 = arith.constant 0 : i32
      %cond3A_781 = arith.cmpi ne, %convert_element_type3A_779, %cond3A_780 : i32
      scf.if %cond3A_781 {
        %add3A_782 = arith.constant 5 : i32
        %add3A_783 = arith.addi %add3A_551, %add3A_782 : i32
        %jit3A_784 = arith.constant 1 : i32
        %div3A_785 = arith.divsi %add3A_783, %jit3A_784 : i32
        %sign3A_786 = arith.constant 0 : i32
        %sign3A_787 = arith.cmpi sgt, %add3A_783, %sign3A_786 : i32
        %sign3A_788 = arith.extui %sign3A_787 : i1 to i32
        %sign3A_789 = arith.constant 0 : i32
        %sign3A_790 = arith.cmpi slt, %add3A_783, %sign3A_789 : i32
        %sign3A_791 = arith.extui %sign3A_790 : i1 to i32
        %sign3A_792 = arith.subi %sign3A_788, %sign3A_791 : i32
        %sign3A_793 = arith.constant 0 : i32
        %sign3A_794 = arith.cmpi sgt, %jit3A_784, %sign3A_793 : i32
        %sign3A_795 = arith.extui %sign3A_794 : i1 to i32
        %sign3A_796 = arith.constant 0 : i32
        %sign3A_797 = arith.cmpi slt, %jit3A_784, %sign3A_796 : i32
        %sign3A_798 = arith.extui %sign3A_797 : i1 to i32
        %sign3A_799 = arith.subi %sign3A_795, %sign3A_798 : i32
        %ne3A_800 = arith.cmpi ne, %sign3A_792, %sign3A_799 : i32
        %rem3A_801 = arith.remsi %add3A_783, %jit3A_784 : i32
        %ne3A_802 = arith.constant 0 : i32
        %ne3A_803 = arith.cmpi ne, %rem3A_801, %ne3A_802 : i32
        %and3A_804 = arith.andi %ne3A_800, %ne3A_803 : i1
        %sub3A_805 = arith.constant 1 : i32
        %sub3A_806 = arith.subi %div3A_785, %sub3A_805 : i32
        %select_n3A_807 = arith.select %and3A_804, %sub3A_806, %div3A_785 : i32
        %jit3A_808 = arith.constant 1 : i32
        %eq3A_809 = arith.constant 0 : i32
        %eq3A_810 = arith.cmpi eq, %jit3A_808, %eq3A_809 : i32
        %jit3A_811 = arith.constant 1 : i32
        %select_n3A_812 = arith.select %eq3A_810, %jit3A_811, %jit3A_808 : i32
        %rem3A_813 = arith.remsi %add3A_783, %select_n3A_812 : i32
        %ne3A_814 = arith.constant 0 : i32
        %ne3A_815 = arith.cmpi ne, %rem3A_813, %ne3A_814 : i32
        %lt3A_816 = arith.constant 0 : i32
        %lt3A_817 = arith.cmpi slt, %rem3A_813, %lt3A_816 : i32
        %lt3A_818 = arith.constant 0 : i32
        %lt3A_819 = arith.cmpi slt, %select_n3A_812, %lt3A_818 : i32
        %ne3A_820 = arith.xori %lt3A_817, %lt3A_819 : i1
        %and3A_821 = arith.andi %ne3A_820, %ne3A_815 : i1
        %add3A_822 = arith.addi %rem3A_813, %select_n3A_812 : i32
        %select_n3A_823 = arith.select %and3A_821, %add3A_822, %rem3A_813 : i32
        %mul3A_824 = arith.constant 128 : i32
        %mul3A_825 = arith.muli %select_n3A_823, %mul3A_824 : i32
        %dma_start3A_826 = arith.constant 4 : i32
        %dma_start3A_827 = arith.constant 4 : i32
        %dma_start3A_828 = arith.constant 0 : i32
        %dma_start3A_829 = arith.constant 0 : i32
        %dma_start3A_830 = tpu.memref_slice %arg6[%dma_start3A_826, %dma_start3A_828, %dma_start3A_829] : memref<5x128x128xf32, #tpu.memory_space<vmem>> -> memref<1x128x128xf32, #tpu.memory_space<vmem>>
        %dma_start3A_831 = tpu.memref_squeeze %dma_start3A_830 : memref<1x128x128xf32, #tpu.memory_space<vmem>> -> memref<128x128xf32, #tpu.memory_space<vmem>>
        %dma_start3A_832 = tpu.memref_slice %arg5[%select_n3A_807, %mul3A_825] : memref<50x128xi32, #tpu.memory_space<vmem>> -> memref<1x128xi32, #tpu.memory_space<vmem>>
        %dma_start3A_833 = tpu.memref_squeeze %dma_start3A_832 : memref<1x128xi32, #tpu.memory_space<vmem>> -> memref<128xi32, #tpu.memory_space<vmem>>
        %dma_start3A_834 = arith.constant 0 : i32
        %dma_start3A_835 = arith.constant 0 : i32
        %dma_start3A_836 = tpu.memref_slice %arg3[%dma_start3A_834, %dma_start3A_835] : memref<100000x128xf32, #tpu.memory_space<hbm>> -> memref<100000x128xf32, #tpu.memory_space<hbm>>
        %dma_start3A_837 = tpu.memref_slice %arg7[%dma_start3A_827] : memref<5x!tpu.dma_semaphore, #tpu.memory_space<semaphore_mem>> -> memref<1x!tpu.dma_semaphore, #tpu.memory_space<semaphore_mem>>
        %dma_start3A_838 = tpu.memref_squeeze %dma_start3A_837 : memref<1x!tpu.dma_semaphore, #tpu.memory_space<semaphore_mem>> -> memref<!tpu.dma_semaphore, #tpu.memory_space<semaphore_mem>>
        tpu.enqueue_indirect_dma source(%dma_start3A_836 : memref<100000x128xf32, #tpu.memory_space<hbm>>) target(%dma_start3A_831 : memref<128x128xf32, #tpu.memory_space<vmem>>) offsets(%dma_start3A_833 : memref<128xi32, #tpu.memory_space<vmem>>) semaphore(%dma_start3A_838 : memref<!tpu.dma_semaphore, #tpu.memory_space<semaphore_mem>>)
      } else {
      }
    }
    %scan3A_81 = arith.constant 10 : i32
    return
  }
}

</mosaic_0001>

<sc_bundles>
// kernel: _run.3.cloned.1.call-start
scs
__scs_entry_jumppad:
0x0: {  	(pc) =	sbr.rel $0x88, $3  }
0x1: {  	(tag) =	ssettag $0x0;
	lr =	simm.s32 $0x1  }
0x2: {  	[smem:$0x3F9F] =	sst lr;
	_ =	strace $0xD0000000  }
0x3: {  	_ = 	snop  }
0x4: {  	_ = 	snop  }
0x5: {  	_ = 	snop  }
0x6: {  	_ = 	snop  }
0x7: {  	_ = 	snop  }
__scs_overlays_trampoline_lowered:
0x8: {  	[smem:$0x3FAE] =	sst s0  }
0x9: {  	[smem:$0x3FAF] =	sst s1  }
0xa: {  	[smem:$0x3FB0] =	sst s2  }
0xb: {  	[smem:$0x3FB1] =	sst s3  }
0xc: {  	[smem:$0x3FB2] =	sst s4  }
0xd: {  	[smem:$0x3FB3] =	sst s5  }
0xe: {  	[smem:$0x3FB4] =	sst s6  }
0xf: {  	[smem:$0x3FB5] =	sst s7  }
0x10: {  	[smem:$0x3FB6] =	sst s8  }
0x11: {  	[smem:$0x3FB7] =	sst s9;
	s0 =	simm.s32 @!p0 $0x0  }
0x12: {  	s1 =	sld [smem:$0x3F9D];
	s0 =	simm.s32 @p0 $0x1  }
0x13: {  	[smem:$0x3FB8] =	sst s0;
	s0 =	simm.s32 @!p1 $0x0  }
0x14: {  	s2 =	sld [smem:$0x3F9C];
	s0 =	simm.s32 @p1 $0x1  }
0x15: {  	[smem:$0x3FB9] =	sst s0;
	s0 =	simm.s32 @!p2 $0x0  }
0x16: {  	s3 =	sld [smem:$0x3FDB];
	s0 =	simm.s32 @p2 $0x1  }
0x17: {  	s4 =	simm.s32 $0x1BF5;
	[smem:$0x3FBB] =	sst s0  }
0x18: {  	s0 =	sld [smem:$0x3F9E];
	_ =	swait.ge [sflag:s4], $0x0  }
0x19: {  	s7 =	sld [smem:$0x3F9F]  }
0x1a: {  	s8 =	sadd.s32 $0xFFFFE003, lr  }
0x1b: {  	s9 =	sadd.s32 $0xFFFFFEF7, lr;
	s5 =	simm.s32 $0xFFFFFFFF;
	p2 =	slt.u32 s8, $0xFFFFF086  }
0x1c: {  	p1 =	slt.u32 s9, $0xF7A;
	s5 =	simm.s32 @!p2 $0x0  }
0x1d: {  	s5 =	simm.s32 @p1 $0x1;
	p0 =	seq.s32 s7, s2  }
0x1e: {  	s7 =	smul.u32 @!p0 $0xF7A, s2;
	p2 =	seq.s32 @!p0 s5, $0x0  }
0x1f: {  	s9 =	smul.u32 $0xF7A, s1;
	s8 =	simm.s32 @!p0 $0x1BF5;
	p2 =	por !p2, p0  }
0x20: {  	[sflag:s8] =	ssyncset.s32 @!p0 $0xFFFFF086;
	s6 =	sadd.s32 @!p0 s3, s7;
	s7 =	simm.s32 @!p0 $0x108  }
0x21: {  	s3 =	sadd.s32 s3, s9;
	s6 =	sadd.s32 @!p0 $0x88, s6;
	s7 =	simm.s32 @p2 $0x1082  }
0x22: {  	[simem:s7], [sflag:s8] =	dma.local @!p0 [hbm:s6], $0xF7A  }
0x23: {  	s9 =	sor.u32 $0xD0000000, s2;
	s6 =	simm.s32 $0x108;
	_ =	swait.ge @!p0 [sflag:s8], $0x0  }
0x24: {  	s3 =	sadd.s32 $0x88, s3;
	s6 =	simm.s32 @!p1 $0x1082;
	[sflag:s4] =	ssyncset.s32 $0xFFFFF086  }
0x25: {  	[simem:s6], [sflag:s4] =	dma.local [hbm:s3], $0xF7A  }
0x26: {  	[smem:$0x3F9F] =	sst s1;
	(tag) =	ssettag s2;
	_ =	strace s9  }
0x27: {  	s1 =	sld [smem:$0x3FAF]  }
0x28: {  	s2 =	sld [smem:$0x3FB0]  }
0x29: {  	s4 =	sld [smem:$0x3FB2]  }
0x2a: {  	p0 =	seq.s32 s5, $0x0;
	s5 =	sld [smem:$0x3FB3]  }
0x2b: {  	s6 =	sld [smem:$0x3FB4]  }
0x2c: {  	s7 =	sld [smem:$0x3FB5]  }
0x2d: {  	s3 =	simm.s32 $0x108;
	s8 =	sld [smem:$0x3FB6]  }
0x2e: {  	s3 =	simm.s32 @!p0 $0x1082;
	s9 =	sld [smem:$0x3FB7]  }
0x2f: {  	lr =	sadd.s32 s0, s3;
	s0 =	sld [smem:$0x3FAE]  }
0x30: {  	s3 =	sld [smem:$0x3FB1]  }
0x31: {  	[smem:$0x3FBA] =	sst s10  }
0x32: {  	s10 =	sld [smem:$0x3FB8];
	_ =	sdelay $0x3  }
0x33: {  	p0 =	seq.s32 s10, $0x1;
	s10 =	sld [smem:$0x3FBA];
	_ =	sdelay $0x3  }
0x34: {  	[smem:$0x3FBA] =	sst s10  }
0x35: {  	s10 =	sld [smem:$0x3FB9];
	_ =	sdelay $0x3  }
0x36: {  	p1 =	seq.s32 s10, $0x1;
	s10 =	sld [smem:$0x3FBA];
	_ =	sdelay $0x3  }
0x37: {  	[smem:$0x3FBA] =	sst s10  }
0x38: {  	s10 =	sld [smem:$0x3FBB]  }
0x39: {  	_ = 	snop;
	(pc) =	sbr.ind lr, $3  }
0x3a: {  	_ = 	snop  }
0x3b: {  	_ = 	snop  }
0x3c: {  	p2 =	seq.s32 s10, $0x1;
	s10 =	sld [smem:$0x3FBA]  }
0x3d: {  	_ =	shalt  }
0x3e: {  	_ =	shalt  }
0x3f: {  	_ =	shalt  }
0x40: {  	_ =	shalt  }
0x41: {  	_ =	shalt  }
0x42: {  	_ =	shalt  }
0x43: {  	_ =	shalt  }
0x44: {  	_ =	shalt  }
0x45: {  	_ =	shalt  }
0x46: {  	_ =	shalt  }
0x47: {  	_ =	shalt  }
0x48: {  	_ =	shalt  }
0x49: {  	_ =	shalt  }
0x4a: {  	_ =	shalt  }
0x4b: {  	_ =	shalt  }
0x4c: {  	_ =	shalt  }
0x4d: {  	_ =	shalt  }
0x4e: {  	_ =	shalt  }
0x4f: {  	_ =	shalt  }
0x50: {  	_ =	shalt  }
0x51: {  	_ =	shalt  }
0x52: {  	_ =	shalt  }
0x53: {  	_ =	shalt  }
0x54: {  	_ =	shalt  }
0x55: {  	_ =	shalt  }
0x56: {  	_ =	shalt  }
0x57: {  	_ =	shalt  }
0x58: {  	_ =	shalt  }
0x59: {  	_ =	shalt  }
0x5a: {  	_ =	shalt  }
0x5b: {  	_ =	shalt  }
0x5c: {  	_ =	shalt  }
0x5d: {  	_ =	shalt  }
0x5e: {  	_ =	shalt  }
0x5f: {  	_ =	shalt  }
0x60: {  	_ =	shalt  }
0x61: {  	_ =	shalt  }
0x62: {  	_ =	shalt  }
0x63: {  	_ =	shalt  }
0x64: {  	_ =	shalt  }
0x65: {  	_ =	shalt  }
0x66: {  	_ =	shalt  }
0x67: {  	_ =	shalt  }
0x68: {  	_ =	shalt  }
0x69: {  	_ =	shalt  }
0x6a: {  	_ =	shalt  }
0x6b: {  	_ =	shalt  }
0x6c: {  	_ =	shalt  }
0x6d: {  	_ =	shalt  }
0x6e: {  	_ =	shalt  }
0x6f: {  	_ =	shalt  }
0x70: {  	_ =	shalt  }
0x71: {  	_ =	shalt  }
0x72: {  	_ =	shalt  }
0x73: {  	_ =	shalt  }
0x74: {  	_ =	shalt  }
0x75: {  	_ =	shalt  }
0x76: {  	_ =	shalt  }
0x77: {  	_ =	shalt  }
0x78: {  	_ =	shalt  }
0x79: {  	_ =	shalt  }
0x7a: {  	_ =	shalt  }
0x7b: {  	_ =	shalt  }
0x7c: {  	_ =	shalt  }
0x7d: {  	_ =	shalt  }
0x7e: {  	_ =	shalt  }
0x7f: {  	_ =	shalt  }
0x80: {  	_ =	shalt  }
0x81: {  	_ =	shalt  }
0x82: {  	_ =	shalt  }
0x83: {  	_ =	shalt  }
0x84: {  	_ =	shalt  }
0x85: {  	_ =	shalt  }
0x86: {  	_ =	shalt  }
0x87: {  	_ =	shalt  }
.Lfunc_end0:
.L_simem_size_0:
called_computation_lowered:
.L_overlay_start_0:
0x88: {  	s2 =	sld [smem:$0x3FD9]  }
0x89: {  	s3 =	sld [smem:$0x3FFE];
	_ =	sdelay $0x1  }
0x8a: {  	s1 =	srdreg.scid  }
0x8b: {  	s0 =	sand.u32 $0x1, s1  }
0x8c: {  	s18 =	sshll.u32 s0, $0xA;
	s2 =	sadd.s32 s3, s2  }
0x8d: {  	s2 =	sadd.s32 s2, s18  }
0x8e: {  	[smem:$0x3FC6] =	sst s2  }
0x8f: {  	_ = 	snop  }
0x90: {  	s2 =	sld [smem:$0x3FC9]  }
0x91: {  	s19 =	sld [smem:$0x3FC8]  }
0x92: {  	s4 =	sld [smem:$0x3FD0];
	(tm) =	ssettm $0x1  }
0x93: {  	s5 =	sld [smem:$0x3FFB];
	_ =	sdelay $0x3  }
0x94: {  	_ =	strace s5  }
0x95: {  	s5 =	sld [smem:$0x3FFC];
	_ =	sdelay $0x3  }
0x96: {  	_ =	strace s5  }
0x97: {  	s5 =	sld [smem:$0x3FFD];
	_ =	sdelay $0x3  }
0x98: {  	_ =	strace s5  }
0x99: {  	_ =	strace $0x8FFFFFFF  }
0x9a: {  	s20 =	sld [smem:$0x3FDB];
	_ =	sdelay $0x1  }
0x9b: {  	s6 =	simm.s32 $_scs_section_size  }
0x9c: {  	s7 =	simm.s32 $_size__tile_overlayer_lowered;
	s8 =	simm.s32 $_tile_overlayer_lowered  }
0x9d: {  	s23 =	simm.s32 $0x1BFF;
	s22 =	sshll.u32 s8, $0x1;
	s5 =	sadd.s32 s6, s20  }
0x9e: {  	s9 =	simm.s32 $0x0;
	s21 =	sshll.u32 s7, $0x1;
	s7 =	sadd.s32 s22, s5  }
0x9f: {  	[timem:s9], [sflag:s23] =	dma.local [hbm:s7], s21  }
0xa0: {  	_ =	swait.ge [sflag:s23], s21  }
0xa1: {  	s6 =	ssub.s32 $0x0, s21;
	[sflag:s23] =	ssyncset.done $0x0  }
0xa2: {  	[sflag:s23] =	ssyncadd.s32 s6;
	_ =	sdelay $0x1  }
0xa3: {  	s24 =	simm.s32 $0x1B8B  }
0xa4: {  	_ =	swait.ge [sflag:s24], $0x1  }
0xa5: {  	[sflag:s24] =	ssyncset.done $0x0  }
0xa6: {  	s25 =	simm.s32 $0x1B8E;
	[sflag:s24] =	ssyncadd.s32 $0xFFFFFFFF  }
0xa7: {  	s26 =	simm.s32 $execute0_lowered;
	[smem:$0x3FD2] =	sst s25  }
0xa8: {  	s6 =	sshll.u32 s26, $0x1;
	_ =	strace $0x80000046;
	[dreg:$0x1] =	wrdreg $0xFFFFFFFF  }
0xa9: {  	s28 =	simm.s32 $_size_execute0_lowered;
	s5 =	sadd.s32 s5, s6;
	[dreg:$0x0] =	wrdreg $0x0  }
0xaa: {  	s6 =	sshll.u32 s28, $0x1;
	[dreg:$0x2] =	wrdreg s5  }
0xab: {  	[dreg:$0x3] =	wrdreg s6  }
0xac: {  	[dreg:$0x4] =	wrdreg $0xC0  }
0xad: {  	_ =	task [dreg:s9], $0x5FFFF  }
0xae: {  	[dreg:$0x1] =	wrdreg $0xFFFFFFFF  }
0xaf: {  	[dreg:$0x0] =	wrdreg $0x60  }
0xb0: {  	[dreg:$0x2] =	wrdreg s2  }
0xb1: {  	[dreg:$0x3] =	wrdreg s19  }
0xb2: {  	[dreg:$0x4] =	wrdreg s4  }
0xb3: {  	[dreg:$0x5] =	wrdreg $0x9  }
0xb4: {  	_ =	task.clear_ibuf [dreg:s9], $0x6FFFF;
	_ =	strace $0x90000046  }
0xb5: {  	s29 =	simm.s32 $0x9;
	_ =	strace $0x80000048  }
0xb6: {  	_ =	swait.ge [sflag:s29], $0x1  }
0xb7: {  	[sflag:s29] =	ssyncadd.s32 $0xFFFFFFFF  }
0xb8: {  	_ =	strace $0x90000048  }
0xb9: {  	_ =	sfence  }
0xba: {  	s30 =	sld [smem:$0x0];
	_ =	sdelay $0x2  }
0xbb: {  	s31 =	sshll.u32 s1, $0xD;
	s1 =	sshrl.u32 s1, $0x2  }
0xbc: {  	s3 =	sand.u32 $0x4000, s31;
	s1 =	sadd.s32 s1, s30  }
0xbd: {  	s0 =	sor.u32 s3, s0;
	s1 =	sshll.u32 s1, $0x11  }
0xbe: {  	s0 =	sor.u32 s1, s0  }
0xbf: {  	s0 =	sadd.s32 $0x8F2B, s0  }
0xc0: {  	[sflag:s0] =	ssyncadd.remote.s32 $0x1  }
0xc1: {  	_ =	sfence.sel $0xFFFF  }
0xc2: {  	[dreg:$0x0] =	wrdreg $0xFFFFFFFF;
	(pc) =	sbr.abs _section_cstart, $3  }
0xc3: {  	[dreg:$0x1] =	wrdreg $0xFFFFFFFF  }
0xc4: {  	_ =	task.clear_ibuf [dreg:s9], $0x2FFFF;
	_ =	strace $0x9FFFFFFF  }
0xc5: {  	(tm) =	ssettm $0x7FFFFFFF  }
tec
execute0_lowered:
.L_overlay_start_1:
0x0: {  	(tag) =	ssettag $0x1  }
0x1: {  	s0 =	rddreg [dreg:$0x0]  }
0x2: {  	s1 =	rddreg [dreg:$0x1]  }
0x3: {  	s3 =	rddreg [dreg:$0x2];
	s2 =	simm.s32 $0x0;
	s4 =	srdreg.scid  }
0x4: {  	s9 =	stileid.u32;
	s11 =	simm.s32 $0xB;
	s12 =	simm.s32 $0x80  }
0x5: {  	s13 =	simm.s32 $0x1C00;
	s14 =	simm.s32 $0x5C00;
	s15 =	simm.s32 $0x100  }
0x6: {  	s16 =	simm.s32 $0x9C00;
	s17 =	simm.s32 $0x180;
	s18 =	simm.s32 $0xDC00  }
0x7: {  	s19 =	simm.s32 $0x200;
	s20 =	simm.s32 $0x11C00;
	s21 =	simm.s32 $0x1  }
0x8: {  	s22 =	simm.s32 $0x2;
	s28 =	simm.s32 $0x7;
	s29 =	simm.s32 $0x8  }
0x9: {  	s30 =	simm.s32 $0x9;
	s31 =	simm.s32 $0xA;
	[smem:$0x7FF] =	sst s2  }
0xa: {  	s5 =	sand.u32 $0x1, s4;
	s7 =	sshll.u32 s9, $0x8;
	s24 =	sshll.u32 s9, $0xC  }
0xb: {  	_ =	strace $0x80000047;
	s4 =	ssub.s32 $0x2, s5;
	s8 =	sshll.u32 s5, $0x7  }
.Ltmp0:
0xc: {  	s25 =	sadd.s32 s24, s3;
	s26 =	sshll.u32 s5, $0xB;
	(pc) =	sbr.rel .LBB2_1-.Ltmp0, $4  }
0xd: {  	s24 =	simm.s32 $0x4;
	s6 =	sshrl.u32 s4, $0x1;
	s23 =	sor.u32 s8, s7  }
0xe: {  	s3 =	sadd.s32 s26, s25;
	s25 =	simm.s32 $0x5;
	s26 =	simm.s32 $0x6  }
0xf: {  	s6 =	ssub.s32 s4, s6;
	s4 =	sadd.s32 s0, s23;
	s23 =	simm.s32 $0x3  }
0x10: {  	s0 =	simm.s32 $0x0;
	s5 =	sadd.s32 $0x6000, s4;
	s6 =	smax.u32 s6, $0x1  }
.LBB2_4:
0x11: {  	_ =	swait.ge [sflag:s28], $0x4000  }
0x12: {  	[sflag:s28] =	ssyncset.done $0x0  }
0x13: {  	[sflag:s28] =	ssyncadd.s32 $0xFFFFC000  }
0x14: {  	_ =	swait.ge [sflag:s29], $0x4000  }
0x15: {  	[sflag:s29] =	ssyncset.done $0x0  }
0x16: {  	s0 =	sadd.s32 $0x1, s0;
	[sflag:s29] =	ssyncadd.s32 $0xFFFFC000  }
0x17: {  	p0 =	sne.s32 s0, s6;
	_ =	swait.ge [sflag:s30], $0x4000  }
.Ltmp1:
0x18: {  	[sflag:s30] =	ssyncset.done $0x0;
	(pc) =	sbr.rel @!p0 .LBB2_5-.Ltmp1, $4  }
0x19: {  	[sflag:s30] =	ssyncadd.s32 $0xFFFFC000  }
0x1a: {  	_ =	swait.ge [sflag:s31], $0x4000  }
0x1b: {  	[sflag:s31] =	ssyncset.done $0x0  }
0x1c: {  	[sflag:s31] =	ssyncadd.s32 $0xFFFFC000  }
.LBB2_1:
0x1d: {  	s7 =	simm.s32 $0x400;
	s8 =	simm.s32 $0x8000  }
0x1e: {  	[tilespmem:s2], [sflag:$0xB] =	stream.strided.gather [hbm4b:s4+s7], $0x1800, s8, s7, $0x38;
	[tilespmem:$0x15C00] =	vst v63  }
0x1f: {  	s10 =	simm.s32 $0x1800  }
0x20: {  	[tilespmem:s10], [sflag:$0xB] =	stream.linear.gather [hbm4b:s5+s2], $0x100, $0x38;
	[tilespmem:$0x15C00] =	vst v63  }
0x21: {  	_ =	swait.ge [sflag:s11], $0x1900  }
0x22: {  	[sflag:s11] =	ssyncset.done $0x0  }
0x23: {  	[sflag:s11] =	ssyncadd.s32 $0xFFFFE700  }
0x24: {  	[tilespmem:s13], [sflag:$0x1] =	stream.indirect.gather [hbm4b:s1+s12], $0x80, s2, s12, $0xb8;
	[tilespmem:$0x15C00] =	vst v63  }
0x25: {  	_ = 	snop  }
0x26: {  	[tilespmem:s14], [sflag:$0x2] =	stream.indirect.gather [hbm4b:s1+s12], $0x80, s12, s12, $0xb8;
	[tilespmem:$0x15C00] =	vst v63  }
0x27: {  	_ = 	snop  }
0x28: {  	[tilespmem:s16], [sflag:$0x3] =	stream.indirect.gather [hbm4b:s1+s12], $0x80, s15, s12, $0xb8;
	[tilespmem:$0x15C00] =	vst v63  }
0x29: {  	_ = 	snop  }
0x2a: {  	[tilespmem:s18], [sflag:$0x4] =	stream.indirect.gather [hbm4b:s1+s12], $0x80, s17, s12, $0xb8;
	[tilespmem:$0x15C00] =	vst v63  }
0x2b: {  	s7 =	smov.u32 s3;
	s8 =	simm.s32 $0x0  }
0x2c: {  	[tilespmem:s20], [sflag:$0x5] =	stream.indirect.gather [hbm4b:s1+s12], $0x80, s19, s12, $0xb8;
	[tilespmem:$0x15C00] =	vst v63  }
.LBB2_2:
0x2d: {  	_ =	swait.ge [sflag:s21], $0x4000  }
0x2e: {  	[sflag:s21] =	ssyncset.done $0x0  }
0x2f: {  	[sflag:s21] =	ssyncadd.s32 $0xFFFFC000  }
0x30: {  	[hbm4b:s7+s2] =	stream.linear.scatter [tilespmem:s13], [sflag:$0x6], $0x4000, $0x38;
	[tilespmem:$0x15C00] =	vst v63  }
0x31: {  	_ =	swait.ge [sflag:s22], $0x4000  }
0x32: {  	[sflag:s22] =	ssyncset.done $0x0  }
0x33: {  	s9 =	sadd.s32 $0x10000, s7;
	[sflag:s22] =	ssyncadd.s32 $0xFFFFC000  }
0x34: {  	[hbm4b:s9+s2] =	stream.linear.scatter [tilespmem:s14], [sflag:$0x7], $0x4000, $0x38;
	[tilespmem:$0x15C00] =	vst v63  }
0x35: {  	_ =	swait.ge [sflag:s23], $0x4000  }
0x36: {  	[sflag:s23] =	ssyncset.done $0x0  }
0x37: {  	s10 =	sadd.s32 $0x20000, s7;
	[sflag:s23] =	ssyncadd.s32 $0xFFFFC000  }
0x38: {  	[hbm4b:s10+s2] =	stream.linear.scatter [tilespmem:s16], [sflag:$0x8], $0x4000, $0x38;
	[tilespmem:$0x15C00] =	vst v63  }
0x39: {  	_ =	swait.ge [sflag:s24], $0x4000  }
0x3a: {  	[sflag:s24] =	ssyncset.done $0x0  }
0x3b: {  	s10 =	sadd.s32 $0x30000, s7;
	[sflag:s24] =	ssyncadd.s32 $0xFFFFC000  }
0x3c: {  	[hbm4b:s10+s2] =	stream.linear.scatter [tilespmem:s18], [sflag:$0x9], $0x4000, $0x38;
	[tilespmem:$0x15C00] =	vst v63  }
0x3d: {  	_ =	swait.ge [sflag:s25], $0x4000  }
0x3e: {  	p0 =	seq.s32 s8, $0x5A00;
	[sflag:s25] =	ssyncset.done $0x0  }
.Ltmp2:
0x3f: {  	s10 =	sadd.s32 $0x40000, s7;
	[sflag:s25] =	ssyncadd.s32 $0xFFFFC000;
	(pc) =	sbr.rel @p0 .LBB2_4-.Ltmp2, $4  }
0x40: {  	[hbm4b:s10+s2] =	stream.linear.scatter [tilespmem:s20], [sflag:$0xA], $0x4000, $0x38;
	[tilespmem:$0x15C00] =	vst v63  }
0x41: {  	_ =	swait.ge [sflag:s26], $0x4000  }
0x42: {  	[sflag:s26] =	ssyncset.done $0x0  }
0x43: {  	[sflag:s26] =	ssyncadd.s32 $0xFFFFC000  }
0x44: {  	s9 =	sshra.s32 s8, $0x2  }
0x45: {  	s10 =	sadd.s32 $0x280, s9  }
0x46: {  	[tilespmem:s13], [sflag:$0x1] =	stream.indirect.gather [hbm4b:s1+s12], $0x80, s10, s12, $0xb8;
	[tilespmem:$0x15C00] =	vst v63  }
0x47: {  	_ =	swait.ge [sflag:s28], $0x4000  }
0x48: {  	[sflag:s28] =	ssyncset.done $0x0  }
0x49: {  	s10 =	sadd.s32 $0x300, s9;
	[sflag:s28] =	ssyncadd.s32 $0xFFFFC000  }
0x4a: {  	[tilespmem:s14], [sflag:$0x2] =	stream.indirect.gather [hbm4b:s1+s12], $0x80, s10, s12, $0xb8;
	[tilespmem:$0x15C00] =	vst v63  }
0x4b: {  	_ =	swait.ge [sflag:s29], $0x4000  }
0x4c: {  	[sflag:s29] =	ssyncset.done $0x0  }
0x4d: {  	s10 =	sadd.s32 $0x380, s9;
	[sflag:s29] =	ssyncadd.s32 $0xFFFFC000  }
0x4e: {  	[tilespmem:s16], [sflag:$0x3] =	stream.indirect.gather [hbm4b:s1+s12], $0x80, s10, s12, $0xb8;
	[tilespmem:$0x15C00] =	vst v63  }
0x4f: {  	_ =	swait.ge [sflag:s30], $0x4000  }
0x50: {  	[sflag:s30] =	ssyncset.done $0x0  }
0x51: {  	s10 =	sadd.s32 $0x400, s9;
	[sflag:s30] =	ssyncadd.s32 $0xFFFFC000  }
0x52: {  	[tilespmem:s18], [sflag:$0x4] =	stream.indirect.gather [hbm4b:s1+s12], $0x80, s10, s12, $0xb8;
	[tilespmem:$0x15C00] =	vst v63  }
.Ltmp3:
0x53: {  	_ = 	snop;
	(pc) =	sbr.rel .LBB2_2-.Ltmp3, $4  }
0x54: {  	_ =	swait.ge [sflag:s31], $0x4000  }
0x55: {  	s8 =	sadd.s32 $0xA00, s8;
	[sflag:s31] =	ssyncset.done $0x0  }
0x56: {  	s7 =	sadd.s32 $0x50000, s7;
	s9 =	sadd.s32 $0x480, s9;
	[sflag:s31] =	ssyncadd.s32 $0xFFFFC000  }
0x57: {  	[tilespmem:s20], [sflag:$0x5] =	stream.indirect.gather [hbm4b:s1+s12], $0x80, s9, s12, $0xb8;
	[tilespmem:$0x15C00] =	vst v63  }
.LBB2_5:
0x58: {  	_ =	sfence.sel $0x180000  }
0x59: {  	[bflag:$0x0] =	sbarrier.arrive $0xFFFF  }
0x5a: {  	_ =	strace $0x90000047  }
0x5b: {  	s0 =	stileid.u32;
	[bflag:$0x2] =	sbarrier.arrive $0xFFFF  }
0x5c: {  	p0 =	sne.s32 s0, $0x0;
	s0 =	rddreg [dreg:$0x3]  }
0x5d: {  	s0 =	sadd.s32 @!p0 $0x100000, s0  }
0x5e: {  	[sflag:s0] =	ssyncadd.tile.s32 @!p0 $0x1;
	_ =	shalt  }
.Lfunc_end2:
_tile_overlayer_lowered:
.L_overlay_start_2:
0x5f: {  	(tag) =	ssettag $0x2  }
0x60: {  	s0 =	rddreg [dreg:$0x0];
	s2 =	stileid.u32  }
0x61: {  	s1 =	rddreg [dreg:$0x1];
	p0 =	sne.s32 s2, $0x0  }
0x62: {  	s3 =	rddreg [dreg:$0x2];
	[bflag:$0x3] =	sbarrier.arrive $0xFFFF;
	s2 =	simm.s32 @!p0 $0x1C0B  }
0x63: {  	[timem:s3], [sflag:s2] =	dma.local @!p0 [hbm:s0], s1  }
0x64: {  	s0 =	simm.s32 @!p0 $0xB  }
0x65: {  	_ =	swait.ge @!p0 [sflag:s0], s1  }
0x66: {  	s1 =	ssub.s32 @!p0 $0x0, s1;
	[sflag:s0] =	ssyncset.done @!p0 $0x0  }
0x67: {  	[sflag:s0] =	ssyncadd.s32 @!p0 s1  }
0x68: {  	[bflag:$0x3] =	sbarrier.arrive $0xFFFF  }
0x69: {  	_ =	shalt  }

</sc_bundles>
